<compile_context>
chip_gen: v7x
topology: tpu7x:2x2x1
jax: 0.10.2.dev20260603
libtpu: 0.0.44.dev20260713+nightly
codegen_flags: <defaults>
</compile_context>

<pallas_src>
import functools

import jax
import jax.numpy as jnp
from jax.experimental import pallas as pl
from jax.experimental.pallas import tpu as pltpu


def _square_distance(src, dst):
    d = -2.0 * jnp.einsum('bnc,bmc->bnm', src, dst)
    return d + jnp.sum(src ** 2, -1)[:, :, None] + jnp.sum(dst ** 2, -1)[:, None, :]


def _index_points(points, idx):
    b = points.shape[0]
    batch = jnp.arange(b).reshape((b,) + (1,) * (idx.ndim - 1))
    return points[batch, idx]


def _fps(xyz, npoint):
    b, n, _ = xyz.shape
    batch = jnp.arange(b)

    def body(carry, _):
        distance, farthest = carry
        centroid = xyz[batch, farthest][:, None, :]
        dist = jnp.sum((xyz - centroid) ** 2, axis=-1)
        distance = jnp.minimum(distance, dist)
        return (distance, jnp.argmax(distance, axis=-1).astype(jnp.int32)), farthest

    init = (jnp.full((b, n), 1e10, dtype=xyz.dtype), jnp.zeros((b,), dtype=jnp.int32))
    _, cent = jax.lax.scan(body, init, None, length=npoint)
    return cent.T


def _query_ball(radius, nsample, xyz, new_xyz):
    b, n, _ = xyz.shape
    s = new_xyz.shape[1]
    sqr = _square_distance(new_xyz, xyz)
    gi = jnp.broadcast_to(jnp.arange(n), (b, s, n))
    gi = jnp.where(sqr > radius ** 2, n, gi)
    gi = jnp.sort(gi, axis=-1)[:, :, :nsample]
    first = jnp.broadcast_to(gi[:, :, :1], gi.shape)
    return jnp.where(gi == n, first, gi)


def _mlp2d(x, layers):
    for W, bb, g, be in layers:
        x = jnp.einsum('oi,biks->boks', W, x) + bb[None, :, None, None]
        m = jnp.mean(x, axis=(0, 2, 3), keepdims=True)
        v = jnp.var(x, axis=(0, 2, 3), keepdims=True)
        x = (x - m) / jnp.sqrt(v + 1e-5) * g[None, :, None, None] + be[None, :, None, None]
        x = jax.nn.relu(x)
    return x


def _mlp1d(x, layers):
    for W, bb, g, be in layers:
        x = jnp.einsum('oi,bin->bon', W, x) + bb[None, :, None]
        m = jnp.mean(x, axis=(0, 2), keepdims=True)
        v = jnp.var(x, axis=(0, 2), keepdims=True)
        x = (x - m) / jnp.sqrt(v + 1e-5) * g[None, :, None] + be[None, :, None]
        x = jax.nn.relu(x)
    return x


def _set_abstraction(xyz, points, npoint, radius, nsample, layers, group_all):
    x = jnp.transpose(xyz, (0, 2, 1))
    p = jnp.transpose(points, (0, 2, 1)) if points is not None else None
    if group_all:
        b = x.shape[0]
        new_xyz = jnp.zeros((b, 1, 3), dtype=x.dtype)
        grouped = x[:, None, :, :]
        new_points = jnp.concatenate([grouped, p[:, None, :, :]], axis=-1) if p is not None else grouped
    else:
        fps_idx = _fps(x, npoint)
        new_xyz = _index_points(x, fps_idx)
        idx = _query_ball(radius, nsample, x, new_xyz)
        grouped_xyz = _index_points(x, idx) - new_xyz[:, :, None, :]
        new_points = jnp.concatenate([grouped_xyz, _index_points(p, idx)], axis=-1) if p is not None else grouped_xyz
    h = _mlp2d(jnp.transpose(new_points, (0, 3, 2, 1)), layers)
    return jnp.transpose(new_xyz, (0, 2, 1)), jnp.max(h, axis=2)


def _feature_propagation(xyz1, xyz2, points1, points2, layers):
    x1 = jnp.transpose(xyz1, (0, 2, 1))
    x2 = jnp.transpose(xyz2, (0, 2, 1))
    p2 = jnp.transpose(points2, (0, 2, 1))
    b, n, _ = x1.shape
    s = x2.shape[1]
    if s == 1:
        interp = jnp.broadcast_to(p2, (b, n, p2.shape[-1]))
    else:
        dists = _square_distance(x1, x2)
        idx = jnp.argsort(dists, axis=-1)[:, :, :3]
        d3 = jnp.take_along_axis(dists, idx, axis=-1)
        recip = 1.0 / (d3 + 1e-8)
        weight = recip / jnp.sum(recip, axis=2, keepdims=True)
        interp = jnp.sum(_index_points(p2, idx) * weight[:, :, :, None], axis=2)
    new = jnp.concatenate([jnp.transpose(points1, (0, 2, 1)), interp], axis=-1) if points1 is not None else interp
    return _mlp1d(jnp.transpose(new, (0, 2, 1)), layers)


def _final_kernel(x_ref, w_ref, b_ref, o_ref):
    x = x_ref[0]
    w = w_ref[...]
    y = jnp.dot(w, x, preferred_element_type=jnp.float32) + b_ref[...][:, None]
    y = y - jnp.max(y, axis=0, keepdims=True)
    lse = jnp.log(jnp.sum(jnp.exp(y), axis=0, keepdims=True))
    o_ref[0] = jnp.transpose(y - lse, (1, 0))


def _final_stage(x, W2, b2):
    b, c, n = x.shape
    npart = W2.shape[0]
    return pl.pallas_call(
        _final_kernel,
        grid=(b,),
        in_specs=[
            pl.BlockSpec((1, c, n), lambda i: (i, 0, 0)),
            pl.BlockSpec((npart, c), lambda i: (0, 0)),
            pl.BlockSpec((npart,), lambda i: (0,)),
        ],
        out_specs=pl.BlockSpec((1, n, npart), lambda i: (i, 0, 0)),
        out_shape=jax.ShapeDtypeStruct((b, n, npart), jnp.float32),
    )(x, W2, b2)


def kernel(xyz, cls_label, params):
    l0_xyz = xyz
    l1_xyz, l1_points = _set_abstraction(l0_xyz, None, 512, 0.2, 32, params['sa1'], False)
    l2_xyz, l2_points = _set_abstraction(l1_xyz, l1_points, 128, 0.4, 64, params['sa2'], False)
    l3_xyz, l3_points = _set_abstraction(l2_xyz, l2_points, None, None, None, params['sa3'], True)
    l2_points = _feature_propagation(l2_xyz, l3_xyz, l2_points, l3_points, params['fp3'])
    l1_points = _feature_propagation(l1_xyz, l2_xyz, l1_points, l2_points, params['fp2'])
    b = xyz.shape[0]
    n = xyz.shape[2]
    cls = jnp.broadcast_to(cls_label[:, :, None], (b, cls_label.shape[1], n))
    p1 = jnp.concatenate([cls, l0_xyz], axis=1)
    l0_points = _feature_propagation(l0_xyz, l1_xyz, p1, l1_points, params['fp1'])
    x = _mlp1d(l0_points, [params['conv1']])
    W2, b2 = params['conv2']
    return _final_stage(x, W2, b2)

# --- scband reference (transcript-rebuilt; emitter-appended) ---
"""Pipeline reference for scband-point-net2-part-segmentation-ssg-712964571705 (READ-ONLY COPY).

The authoritative reference and input builder live on the scoring server;
editing this copy changes nothing except your own understanding.
"""

import jax, jax.numpy as jnp
import numpy as np

B, N, NUM_PART, NUM_CLASS = 16, 2048, 50, 16

def square_distance(src, dst):
    d = -2.0 * jnp.einsum('bnc,bmc->bnm', src, dst)
    return d + jnp.sum(src ** 2, -1)[:, :, None] + jnp.sum(dst ** 2, -1)[:, None, :]

def index_points(points, idx):
    b = points.shape[0]
    batch = jnp.arange(b).reshape((b,) + (1,) * (idx.ndim - 1))
    return points[batch, idx]

def farthest_point_sample(xyz, npoint):
    xyz = jax.lax.stop_gradient(xyz)
    b, n, _ = xyz.shape
    batch = jnp.arange(b)
    def body(carry, _):
        distance, farthest = carry
        centroid = xyz[batch, farthest][:, None, :]
        dist = jnp.sum((xyz - centroid) ** 2, axis=-1)
        distance = jnp.minimum(distance, dist)
        return (distance, jnp.argmax(distance, axis=-1).astype(jnp.int32)), farthest
    init = (jnp.full((b, n), 1e10, dtype=xyz.dtype), jnp.zeros((b,), dtype=jnp.int32))
    _, cent = jax.lax.scan(body, init, None, length=npoint)
    return cent.T

def query_ball_point(radius, nsample, xyz, new_xyz):
    b, n, _ = xyz.shape
    s = new_xyz.shape[1]
    sqr = square_distance(jax.lax.stop_gradient(new_xyz), jax.lax.stop_gradient(xyz))
    gi = jnp.broadcast_to(jnp.arange(n), (b, s, n))
    gi = jnp.where(sqr > radius ** 2, n, gi)
    gi = jnp.sort(gi, axis=-1)[:, :, :nsample]
    first = jnp.broadcast_to(gi[:, :, :1], gi.shape)
    return jnp.where(gi == n, first, gi)

def mlp2d(x, layers):
    for W, bb, g, be in layers:
        x = jnp.einsum('oi,biks->boks', W, x) + bb[None, :, None, None]
        m = jnp.mean(x, axis=(0, 2, 3), keepdims=True)
        v = jnp.var(x, axis=(0, 2, 3), keepdims=True)
        x = (x - m) / jnp.sqrt(v + 1e-5) * g[None, :, None, None] + be[None, :, None, None]
        x = jax.nn.relu(x)
    return x

def mlp1d(x, layers):
    for W, bb, g, be in layers:
        x = jnp.einsum('oi,bin->bon', W, x) + bb[None, :, None]
        m = jnp.mean(x, axis=(0, 2), keepdims=True)
        v = jnp.var(x, axis=(0, 2), keepdims=True)
        x = (x - m) / jnp.sqrt(v + 1e-5) * g[None, :, None] + be[None, :, None]
        x = jax.nn.relu(x)
    return x

def set_abstraction(xyz, points, npoint, radius, nsample, layers, group_all):
    x = jnp.transpose(xyz, (0, 2, 1))
    p = jnp.transpose(points, (0, 2, 1)) if points is not None else None
    if group_all:
        b = x.shape[0]
        new_xyz = jnp.zeros((b, 1, 3), dtype=x.dtype)
        grouped = x[:, None, :, :]
        new_points = jnp.concatenate([grouped, p[:, None, :, :]], axis=-1) if p is not None else grouped
    else:
        fps_idx = farthest_point_sample(x, npoint)
        new_xyz = index_points(x, fps_idx)
        idx = query_ball_point(radius, nsample, x, new_xyz)
        grouped_xyz = index_points(x, idx) - new_xyz[:, :, None, :]
        new_points = jnp.concatenate([grouped_xyz, index_points(p, idx)], axis=-1) if p is not None else grouped_xyz
    h = mlp2d(jnp.transpose(new_points, (0, 3, 2, 1)), layers)
    return jnp.transpose(new_xyz, (0, 2, 1)), jnp.max(h, axis=2)

def feature_propagation(xyz1, xyz2, points1, points2, layers):
    x1 = jnp.transpose(xyz1, (0, 2, 1))
    x2 = jnp.transpose(xyz2, (0, 2, 1))
    p2 = jnp.transpose(points2, (0, 2, 1))
    b, n, _ = x1.shape
    s = x2.shape[1]
    if s == 1:
        interp = jnp.broadcast_to(p2, (b, n, p2.shape[-1]))
    else:
        dists = square_distance(x1, x2)
        idx = jnp.argsort(dists, axis=-1)[:, :, :3]
        d3 = jnp.take_along_axis(dists, idx, axis=-1)
        recip = 1.0 / (d3 + 1e-8)
        weight = recip / jnp.sum(recip, axis=2, keepdims=True)
        interp = jnp.sum(index_points(p2, idx) * weight[:, :, :, None], axis=2)
    new = jnp.concatenate([jnp.transpose(points1, (0, 2, 1)), interp], axis=-1) if points1 is not None else interp
    return mlp1d(jnp.transpose(new, (0, 2, 1)), layers)

def pointnet_forward(xyz, cls_label, params):
    l0_xyz = xyz
    l1_xyz, l1_points = set_abstraction(l0_xyz, None, 512, 0.2, 32, params['sa1'], False)
    l2_xyz, l2_points = set_abstraction(l1_xyz, l1_points, 128, 0.4, 64, params['sa2'], False)
    l3_xyz, l3_points = set_abstraction(l2_xyz, l2_points, None, None, None, params['sa3'], True)
    l2_points = feature_propagation(l2_xyz, l3_xyz, l2_points, l3_points, params['fp3'])
    l1_points = feature_propagation(l1_xyz, l2_xyz, l1_points, l2_points, params['fp2'])
    b = xyz.shape[0]
    n = xyz.shape[2]
    cls = jnp.broadcast_to(cls_label[:, :, None], (b, cls_label.shape[1], n))
    p1 = jnp.concatenate([cls, l0_xyz], axis=1)
    l0_points = feature_propagation(l0_xyz, l1_xyz, p1, l1_points, params['fp1'])
    x = mlp1d(l0_points, [params['conv1']])
    W2, b2 = params['conv2']
    x = jnp.einsum('oi,bin->bon', W2, x) + b2[None, :, None]
    x = jax.nn.log_softmax(x, axis=1)
    return jnp.transpose(x, (0, 2, 1))

def _make_mlp(key, cin, channels):
    layers = []
    for cout in channels:
        key, k = jax.random.split(key)
        layers.append((jax.random.normal(k, (cout, cin), dtype=jnp.float32) * 0.05, jnp.zeros((cout,), jnp.float32), jnp.ones((cout,), jnp.float32), jnp.zeros((cout,), jnp.float32)))
        cin = cout
    return layers, key

def setup_inputs(seed: int = 0):
    key = jax.random.key(seed)
    k1, k2, kp = jax.random.split(key, 3)
    xyz = jax.random.uniform(k1, (B, 3, N), dtype=jnp.float32)
    cls_label = jax.nn.one_hot(jax.random.randint(k2, (B,), 0, NUM_CLASS), NUM_CLASS, dtype=jnp.float32)
    params = {}
    params['sa1'], kp = _make_mlp(kp, 3, [64, 64, 128])
    params['sa2'], kp = _make_mlp(kp, 131, [128, 128, 256])
    params['sa3'], kp = _make_mlp(kp, 259, [256, 512, 1024])
    params['fp3'], kp = _make_mlp(kp, 1280, [256, 256])
    params['fp2'], kp = _make_mlp(kp, 384, [256, 128])
    params['fp1'], kp = _make_mlp(kp, 147, [128, 128])
    c1, kp = _make_mlp(kp, 128, [128])
    params['conv1'] = c1[0]
    kp, k3 = jax.random.split(kp)
    params['conv2'] = (jax.random.normal(k3, (NUM_PART, 128), dtype=jnp.float32) * 0.05, jnp.zeros((NUM_PART,), jnp.float32))
    return {'xyz': xyz, 'cls_label': cls_label, 'params': params}

def reference(xyz, cls_label, params):
    return pointnet_forward(xyz, cls_label, params)

if __name__ == "__main__":
    import jax
    _d = setup_inputs()
    print(jax.jit(kernel)(*tuple(_d.values())))

</pallas_src>

<mosaic_0001>
module attributes {stable_mosaic.version = 14 : i64} {
  func.func @_final_kernel(%arg0: i32, %arg1: memref<1x128x2048xf32, #tpu.memory_space<vmem>>, %arg2: memref<50x128xf32, #tpu.memory_space<vmem>>, %arg3: memref<50xf32, #tpu.memory_space<vmem>>, %arg4: memref<1x2048x50xf32, #tpu.memory_space<vmem>>) attributes {dimension_semantics = [#tpu.dimension_semantics<arbitrary>], iteration_bounds = array<i64: 16>, scalar_prefetch = 0 : i64, scratch_operands = 0 : i64, tpu.core_type = #tpu.core_type<tc>, window_params = [{transform_indices = @transform_0, window_bounds = array<i64: 1, 128, 2048>}, {pipeline_mode = #tpu.pipeline_mode<synchronous>, transform_indices = @transform_1, window_bounds = array<i64: 50, 128>}, {pipeline_mode = #tpu.pipeline_mode<synchronous>, transform_indices = @transform_2, window_bounds = array<i64: 50>}, {transform_indices = @transform_3, window_bounds = array<i64: 1, 2048, 50>}]} {
    %get3A = arith.constant 0 : index
    %get3A_0 = arith.constant 0 : index
    %get3A_1 = arith.constant 0 : index
    %get3A_2 = vector.load %arg1[%get3A, %get3A_0, %get3A_1] : memref<1x128x2048xf32, #tpu.memory_space<vmem>>, vector<1x128x2048xf32>
    %get3A_3 = vector.shape_cast %get3A_2 : vector<1x128x2048xf32> to vector<128x2048xf32>
    %get3A_4 = arith.constant 0 : index
    %get3A_5 = arith.constant 0 : index
    %get3A_6 = vector.load %arg2[%get3A_4, %get3A_5] : memref<50x128xf32, #tpu.memory_space<vmem>>, vector<50x128xf32>
    %dot_general3A = arith.constant dense<0.000000e+00> : vector<50x2048xf32>
    %dot_general3A_7 = tpu.matmul %get3A_6, %get3A_3, %dot_general3A {dimension_numbers = #tpu.dot_dimension_numbers<[1], [0], [0], [1], [0, 0, 1, 1], [], []>, transpose_lhs_hint = false} : vector<50x128xf32>, vector<128x2048xf32>, vector<50x2048xf32> -> vector<50x2048xf32>
    %get3A_8 = arith.constant 0 : index
    %get3A_9 = vector.load %arg3[%get3A_8] : memref<50xf32, #tpu.memory_space<vmem>>, vector<50xf32>
    %broadcast_in_dim3A = vector.shape_cast %get3A_9 : vector<50xf32> to vector<50x1xf32>
    %add3A = vector.broadcast %broadcast_in_dim3A : vector<50x1xf32> to vector<50x2048xf32>
    %add3A_10 = arith.addf %dot_general3A_7, %add3A : vector<50x2048xf32>
    %reduce_max3A = arith.constant dense<0xFF800000> : vector<2048xf32>
    %reduce_max3A_11 = vector.multi_reduction <maximumf>, %add3A_10, %reduce_max3A [0] : vector<50x2048xf32> to vector<2048xf32>
    %broadcast_in_dim3A_12 = vector.shape_cast %reduce_max3A_11 : vector<2048xf32> to vector<1x2048xf32>
    %sub3A = vector.broadcast %broadcast_in_dim3A_12 : vector<1x2048xf32> to vector<50x2048xf32>
    %sub3A_13 = arith.subf %add3A_10, %sub3A : vector<50x2048xf32>
    %exp3A = math.exp %sub3A_13 : vector<50x2048xf32>
    %reduce_sum3A = arith.constant dense<0.000000e+00> : vector<2048xf32>
    %reduce_sum3A_14 = vector.multi_reduction <add>, %exp3A, %reduce_sum3A [0] : vector<50x2048xf32> to vector<2048xf32>
    %broadcast_in_dim3A_15 = vector.shape_cast %reduce_sum3A_14 : vector<2048xf32> to vector<1x2048xf32>
    %log3A = math.log %broadcast_in_dim3A_15 : vector<1x2048xf32>
    %sub3A_16 = vector.broadcast %log3A : vector<1x2048xf32> to vector<50x2048xf32>
    %sub3A_17 = arith.subf %sub3A_13, %sub3A_16 : vector<50x2048xf32>
    %transpose3A = tpu.transpose %sub3A_17, [1, 0] : vector<50x2048xf32> -> vector<2048x50xf32>
    %swap3A = arith.constant 0 : index
    %swap3A_18 = arith.constant 0 : index
    %swap3A_19 = arith.constant 0 : index
    %swap3A_20 = vector.load %arg4[%swap3A, %swap3A_18, %swap3A_19] : memref<1x2048x50xf32, #tpu.memory_space<vmem>>, vector<1x2048x50xf32>
    %swap3A_21 = vector.shape_cast %swap3A_20 : vector<1x2048x50xf32> to vector<2048x50xf32>
    %swap3A_22 = vector.shape_cast %transpose3A : vector<2048x50xf32> to vector<1x2048x50xf32>
    tpu.vector_store %arg4[%swap3A, %swap3A_18, %swap3A_19], %swap3A_22 {strides = array<i32>} : memref<1x2048x50xf32, #tpu.memory_space<vmem>>, vector<1x2048x50xf32>,
    return
  }
  func.func @transform_0(%arg0: i32) -> (i32, i32, i32) {
    %c0_i32 = arith.constant 0 : i32
    %c0_i32_0 = arith.constant 0 : i32
    %c0_i32_1 = arith.constant 0 : i32
    return %arg0, %c0_i32, %c0_i32_0 : i32, i32, i32
  }
  func.func @transform_1(%arg0: i32) -> (i32, i32) {
    %c0_i32 = arith.constant 0 : i32
    %c0_i32_0 = arith.constant 0 : i32
    %c0_i32_1 = arith.constant 0 : i32
    return %c0_i32, %c0_i32_0 : i32, i32
  }
  func.func @transform_2(%arg0: i32) -> i32 {
    %c0_i32 = arith.constant 0 : i32
    %c0_i32_0 = arith.constant 0 : i32
    return %c0_i32 : i32
  }
  func.func @transform_3(%arg0: i32) -> (i32, i32, i32) {
    %c0_i32 = arith.constant 0 : i32
    %c0_i32_0 = arith.constant 0 : i32
    %c0_i32_1 = arith.constant 0 : i32
    return %arg0, %c0_i32, %c0_i32_0 : i32, i32, i32
  }
}

</mosaic_0001>

<sc_bundles>
// kernel: gather_offload_async_start.1
scs
__scs_entry_jumppad:
0x0: {  	(pc) =	sbr.rel $0x88, $3  }
0x1: {  	(tag) =	ssettag $0x0;
	lr =	simm.s32 $0x1  }
0x2: {  	[smem:$0x3F5D] =	sst lr;
	_ =	strace $0xD0000000  }
0x3: {  	_ = 	snop  }
0x4: {  	_ = 	snop  }
0x5: {  	_ = 	snop  }
0x6: {  	_ = 	snop  }
0x7: {  	_ = 	snop  }
__scs_overlays_trampoline_lowered:
0x8: {  	[smem:$0x3F6C] =	sst s0  }
0x9: {  	[smem:$0x3F6D] =	sst s1  }
0xa: {  	[smem:$0x3F6E] =	sst s2  }
0xb: {  	[smem:$0x3F6F] =	sst s3  }
0xc: {  	[smem:$0x3F70] =	sst s4  }
0xd: {  	[smem:$0x3F71] =	sst s5  }
0xe: {  	[smem:$0x3F72] =	sst s6  }
0xf: {  	[smem:$0x3F73] =	sst s7  }
0x10: {  	[smem:$0x3F74] =	sst s8  }
0x11: {  	[smem:$0x3F75] =	sst s9;
	s0 =	simm.s32 @!p0 $0x0  }
0x12: {  	s1 =	sld [smem:$0x3F5B];
	s0 =	simm.s32 @p0 $0x1  }
0x13: {  	[smem:$0x3F76] =	sst s0;
	s0 =	simm.s32 @!p1 $0x0  }
0x14: {  	s2 =	sld [smem:$0x3F5A];
	s0 =	simm.s32 @p1 $0x1  }
0x15: {  	[smem:$0x3F77] =	sst s0;
	s0 =	simm.s32 @!p2 $0x0  }
0x16: {  	s3 =	sld [smem:$0x3FDB];
	s0 =	simm.s32 @p2 $0x1  }
0x17: {  	s4 =	simm.s32 $0x1BF5;
	[smem:$0x3F79] =	sst s0  }
0x18: {  	s0 =	sld [smem:$0x3F5C];
	_ =	swait.ge [sflag:s4], $0x0  }
0x19: {  	s7 =	sld [smem:$0x3F5D]  }
0x1a: {  	s8 =	sadd.s32 $0xFFFFE003, lr  }
0x1b: {  	s9 =	sadd.s32 $0xFFFFFEF7, lr;
	s5 =	simm.s32 $0xFFFFFFFF;
	p2 =	slt.u32 s8, $0xFFFFF086  }
0x1c: {  	p1 =	slt.u32 s9, $0xF7A;
	s5 =	simm.s32 @!p2 $0x0  }
0x1d: {  	s5 =	simm.s32 @p1 $0x1;
	p0 =	seq.s32 s7, s2  }
0x1e: {  	s7 =	smul.u32 @!p0 $0xF7A, s2;
	p2 =	seq.s32 @!p0 s5, $0x0  }
0x1f: {  	s9 =	smul.u32 $0xF7A, s1;
	s8 =	simm.s32 @!p0 $0x1BF5;
	p2 =	por !p2, p0  }
0x20: {  	[sflag:s8] =	ssyncset.s32 @!p0 $0xFFFFF086;
	s6 =	sadd.s32 @!p0 s3, s7;
	s7 =	simm.s32 @!p0 $0x108  }
0x21: {  	s3 =	sadd.s32 s3, s9;
	s6 =	sadd.s32 @!p0 $0x88, s6;
	s7 =	simm.s32 @p2 $0x1082  }
0x22: {  	[simem:s7], [sflag:s8] =	dma.local @!p0 [hbm:s6], $0xF7A  }
0x23: {  	s9 =	sor.u32 $0xD0000000, s2;
	s6 =	simm.s32 $0x108;
	_ =	swait.ge @!p0 [sflag:s8], $0x0  }
0x24: {  	s3 =	sadd.s32 $0x88, s3;
	s6 =	simm.s32 @!p1 $0x1082;
	[sflag:s4] =	ssyncset.s32 $0xFFFFF086  }
0x25: {  	[simem:s6], [sflag:s4] =	dma.local [hbm:s3], $0xF7A  }
0x26: {  	[smem:$0x3F5D] =	sst s1;
	(tag) =	ssettag s2;
	_ =	strace s9  }
0x27: {  	s1 =	sld [smem:$0x3F6D]  }
0x28: {  	s2 =	sld [smem:$0x3F6E]  }
0x29: {  	s4 =	sld [smem:$0x3F70]  }
0x2a: {  	p0 =	seq.s32 s5, $0x0;
	s5 =	sld [smem:$0x3F71]  }
0x2b: {  	s6 =	sld [smem:$0x3F72]  }
0x2c: {  	s7 =	sld [smem:$0x3F73]  }
0x2d: {  	s3 =	simm.s32 $0x108;
	s8 =	sld [smem:$0x3F74]  }
0x2e: {  	s3 =	simm.s32 @!p0 $0x1082;
	s9 =	sld [smem:$0x3F75]  }
0x2f: {  	lr =	sadd.s32 s0, s3;
	s0 =	sld [smem:$0x3F6C]  }
0x30: {  	s3 =	sld [smem:$0x3F6F]  }
0x31: {  	[smem:$0x3F78] =	sst s10  }
0x32: {  	s10 =	sld [smem:$0x3F76];
	_ =	sdelay $0x3  }
0x33: {  	p0 =	seq.s32 s10, $0x1;
	s10 =	sld [smem:$0x3F78];
	_ =	sdelay $0x3  }
0x34: {  	[smem:$0x3F78] =	sst s10  }
0x35: {  	s10 =	sld [smem:$0x3F77];
	_ =	sdelay $0x3  }
0x36: {  	p1 =	seq.s32 s10, $0x1;
	s10 =	sld [smem:$0x3F78];
	_ =	sdelay $0x3  }
0x37: {  	[smem:$0x3F78] =	sst s10  }
0x38: {  	s10 =	sld [smem:$0x3F79]  }
0x39: {  	_ = 	snop;
	(pc) =	sbr.ind lr, $3  }
0x3a: {  	_ = 	snop  }
0x3b: {  	_ = 	snop  }
0x3c: {  	p2 =	seq.s32 s10, $0x1;
	s10 =	sld [smem:$0x3F78]  }
0x3d: {  	_ =	shalt  }
0x3e: {  	_ =	shalt  }
0x3f: {  	_ =	shalt  }
0x40: {  	_ =	shalt  }
0x41: {  	_ =	shalt  }
0x42: {  	_ =	shalt  }
0x43: {  	_ =	shalt  }
0x44: {  	_ =	shalt  }
0x45: {  	_ =	shalt  }
0x46: {  	_ =	shalt  }
0x47: {  	_ =	shalt  }
0x48: {  	_ =	shalt  }
0x49: {  	_ =	shalt  }
0x4a: {  	_ =	shalt  }
0x4b: {  	_ =	shalt  }
0x4c: {  	_ =	shalt  }
0x4d: {  	_ =	shalt  }
0x4e: {  	_ =	shalt  }
0x4f: {  	_ =	shalt  }
0x50: {  	_ =	shalt  }
0x51: {  	_ =	shalt  }
0x52: {  	_ =	shalt  }
0x53: {  	_ =	shalt  }
0x54: {  	_ =	shalt  }
0x55: {  	_ =	shalt  }
0x56: {  	_ =	shalt  }
0x57: {  	_ =	shalt  }
0x58: {  	_ =	shalt  }
0x59: {  	_ =	shalt  }
0x5a: {  	_ =	shalt  }
0x5b: {  	_ =	shalt  }
0x5c: {  	_ =	shalt  }
0x5d: {  	_ =	shalt  }
0x5e: {  	_ =	shalt  }
0x5f: {  	_ =	shalt  }
0x60: {  	_ =	shalt  }
0x61: {  	_ =	shalt  }
0x62: {  	_ =	shalt  }
0x63: {  	_ =	shalt  }
0x64: {  	_ =	shalt  }
0x65: {  	_ =	shalt  }
0x66: {  	_ =	shalt  }
0x67: {  	_ =	shalt  }
0x68: {  	_ =	shalt  }
0x69: {  	_ =	shalt  }
0x6a: {  	_ =	shalt  }
0x6b: {  	_ =	shalt  }
0x6c: {  	_ =	shalt  }
0x6d: {  	_ =	shalt  }
0x6e: {  	_ =	shalt  }
0x6f: {  	_ =	shalt  }
0x70: {  	_ =	shalt  }
0x71: {  	_ =	shalt  }
0x72: {  	_ =	shalt  }
0x73: {  	_ =	shalt  }
0x74: {  	_ =	shalt  }
0x75: {  	_ =	shalt  }
0x76: {  	_ =	shalt  }
0x77: {  	_ =	shalt  }
0x78: {  	_ =	shalt  }
0x79: {  	_ =	shalt  }
0x7a: {  	_ =	shalt  }
0x7b: {  	_ =	shalt  }
0x7c: {  	_ =	shalt  }
0x7d: {  	_ =	shalt  }
0x7e: {  	_ =	shalt  }
0x7f: {  	_ =	shalt  }
0x80: {  	_ =	shalt  }
0x81: {  	_ =	shalt  }
0x82: {  	_ =	shalt  }
0x83: {  	_ =	shalt  }
0x84: {  	_ =	shalt  }
0x85: {  	_ =	shalt  }
0x86: {  	_ =	shalt  }
0x87: {  	_ =	shalt  }
.Lfunc_end0:
.L_simem_size_0:
called_computation.2_lowered:
.L_overlay_start_0:
0x88: {  	s2 =	sld [smem:$0x3FD9]  }
0x89: {  	s3 =	sld [smem:$0x3FFE];
	_ =	sdelay $0x1  }
0x8a: {  	s1 =	srdreg.scid  }
0x8b: {  	s0 =	sand.u32 $0x1, s1  }
0x8c: {  	s17 =	sshll.u32 s0, $0xA;
	s2 =	sadd.s32 s3, s2  }
0x8d: {  	s2 =	sadd.s32 s2, s17  }
0x8e: {  	[smem:$0x3F84] =	sst s2  }
0x8f: {  	_ = 	snop  }
0x90: {  	s2 =	sld [smem:$0x3FD0];
	(tm) =	ssettm $0x1  }
0x91: {  	s18 =	sld [smem:$0x3FFB];
	_ =	sdelay $0x3  }
0x92: {  	_ =	strace s18  }
0x93: {  	s3 =	sld [smem:$0x3FFC];
	_ =	sdelay $0x3  }
0x94: {  	_ =	strace s3  }
0x95: {  	s3 =	sld [smem:$0x3FFD];
	_ =	sdelay $0x3  }
0x96: {  	_ =	strace s3  }
0x97: {  	_ =	strace $0x8FFFFFFF  }
0x98: {  	s19 =	sld [smem:$0x3FDB];
	_ =	sdelay $0x1  }
0x99: {  	s4 =	simm.s32 $_scs_section_size  }
0x9a: {  	s5 =	simm.s32 $_size__tile_overlayer_lowered;
	s6 =	simm.s32 $_tile_overlayer_lowered  }
0x9b: {  	s22 =	simm.s32 $0x1BFF;
	s21 =	sshll.u32 s6, $0x1;
	s3 =	sadd.s32 s4, s19  }
0x9c: {  	s7 =	simm.s32 $0x0;
	s20 =	sshll.u32 s5, $0x1;
	s5 =	sadd.s32 s21, s3  }
0x9d: {  	[timem:s7], [sflag:s22] =	dma.local [hbm:s5], s20  }
0x9e: {  	_ =	swait.ge [sflag:s22], s20  }
0x9f: {  	s4 =	ssub.s32 $0x0, s20;
	[sflag:s22] =	ssyncset.done $0x0  }
0xa0: {  	[sflag:s22] =	ssyncadd.s32 s4;
	_ =	sdelay $0x1  }
0xa1: {  	s23 =	simm.s32 $0x1B8B  }
0xa2: {  	_ =	swait.ge [sflag:s23], $0x1  }
0xa3: {  	[sflag:s23] =	ssyncset.done $0x0  }
0xa4: {  	s25 =	simm.s32 $0x1B8E;
	s24 =	sld [smem:$0x3FFE];
	[sflag:s23] =	ssyncadd.s32 $0xFFFFFFFF  }
0xa5: {  	s26 =	simm.s32 $execute0_lowered;
	[smem:$0x3FD2] =	sst s25  }
0xa6: {  	s5 =	sshll.u32 s26, $0x1;
	_ =	strace $0x8000004C;
	[dreg:$0x1] =	wrdreg $0xFFFFFFFF  }
0xa7: {  	s28 =	simm.s32 $_size_execute0_lowered;
	s3 =	sadd.s32 s3, s5;
	[dreg:$0x0] =	wrdreg $0x0  }
0xa8: {  	s5 =	sshll.u32 s28, $0x1;
	[dreg:$0x2] =	wrdreg s3  }
0xa9: {  	[dreg:$0x3] =	wrdreg s5  }
0xaa: {  	[dreg:$0x4] =	wrdreg $0xC0  }
0xab: {  	_ =	task [dreg:s7], $0x5FFFF  }
0xac: {  	[dreg:$0x1] =	wrdreg $0xFFFFFFFF  }
0xad: {  	[dreg:$0x0] =	wrdreg $0x60  }
0xae: {  	[dreg:$0x2] =	wrdreg s2  }
0xaf: {  	[dreg:$0x3] =	wrdreg s24  }
0xb0: {  	[dreg:$0x4] =	wrdreg $0x9  }
0xb1: {  	_ =	task.clear_ibuf [dreg:s7], $0x5FFFF;
	_ =	strace $0x9000004C  }
0xb2: {  	s29 =	simm.s32 $0x9;
	_ =	strace $0x8000004E  }
0xb3: {  	_ =	swait.ge [sflag:s29], $0x1  }
0xb4: {  	[sflag:s29] =	ssyncadd.s32 $0xFFFFFFFF  }
0xb5: {  	_ =	strace $0x9000004E  }
0xb6: {  	_ =	sfence  }
0xb7: {  	s30 =	sld [smem:$0x0];
	_ =	sdelay $0x2  }
0xb8: {  	s31 =	sshll.u32 s1, $0xD;
	s1 =	sshrl.u32 s1, $0x2  }
0xb9: {  	s3 =	sand.u32 $0x4000, s31;
	s1 =	sadd.s32 s1, s30  }
0xba: {  	s0 =	sor.u32 s3, s0;
	s1 =	sshll.u32 s1, $0x11  }
0xbb: {  	s0 =	sor.u32 s1, s0  }
0xbc: {  	s0 =	sadd.s32 $0x8F2B, s0  }
0xbd: {  	[sflag:s0] =	ssyncadd.remote.s32 $0x1  }
0xbe: {  	_ =	sfence.sel $0xFFFF  }
0xbf: {  	[dreg:$0x0] =	wrdreg $0xFFFFFFFF;
	(pc) =	sbr.abs _section_cstart, $3  }
0xc0: {  	[dreg:$0x1] =	wrdreg $0xFFFFFFFF  }
0xc1: {  	_ =	task.clear_ibuf [dreg:s7], $0x2FFFF;
	_ =	strace $0x9FFFFFFF  }
0xc2: {  	(tm) =	ssettm $0x7FFFFFFF  }
0xc3: {  	_ =	shalt  }
tec
execute0_lowered:
.L_overlay_start_1:
0x0: {  	(tag) =	ssettag $0x1  }
0x1: {  	s2 =	rddreg [dreg:$0x0]  }
0x2: {  	s7 =	rddreg [dreg:$0x1]  }
0x3: {  	s0 =	rddreg [dreg:$0x2]  }
0x4: {  	s1 =	srdreg.scid;
	_ =	strace $0x8000004D;
	s4 =	simm.s32 $0x1  }
0x5: {  	s9 =	simm.s32 $0x3;
	s12 =	simm.s32 $0x0;
	s5 =	sshll.u32 s1, $0x4  }
.Ltmp0:
0x6: {  	s1 =	stileid.u32;
	s5 =	sand.u32 $0x10, s5;
	(pc) =	sbr.rel .LBB2_1-.Ltmp0, $4  }
0x7: {  	s10 =	simm.s32 $0x0;
	s3 =	sadd.s32 $0x1600, s7;
	s6 =	sor.u32 s1, s5  }
0x8: {  	[sflag:s4] =	ssyncpa.u1 $0x0;
	s5 =	simm.s32 $0x2;
	s6 =	sshll.u32 s6, $0x6  }
0x9: {  	s7 =	sadd.s32 $0x1A800, s7;
	[sflag:s5] =	ssyncpa.u1 $0x0;
	s8 =	sadd.s32 $0x40, s6  }
0xa: {  	vm0 =	vmmov $0xff;
	vm1 =	vcmask $0x3F20;
	[sflag:s9] =	ssyncpa.u1 $0x0;
	s9 =	simm.s32 $0x40;
	s11 =	smov.u32 s6  }
.LBB2_9:
0xb: {  	p0 =	seq.s32 s10, $0x2  }
.Ltmp1:
0xc: {  	_ = 	snop;
	(pc) =	sbr.rel @p0 .LBB2_11-.Ltmp1, $1  }
0xd: {  	_ =	sdelay $0x3  }
.LBB2_10:
0xe: {  	s12 =	sadd.s32 $0x40, s11  }
0xf: {  	s13 =	smov.u32 s6;
	p0 =	slt.s32 s12, s8  }
0x10: {  	s13 =	smov.u32 @p0 s12  }
0x11: {  	s10 =	sadd.s32 $0x1, s10;
	s12 =	smov.u32 s11;
	s11 =	smov.u32 s13  }
.LBB2_1:
0x12: {  	p0 =	sne.s32 s10, $0x0  }
.Ltmp2:
0x13: {  	_ = 	snop;
	(pc) =	sbr.rel @!p0 .LBB2_2-.Ltmp2, $1  }
0x14: {  	_ =	sdelay $0x3  }
0x15: {  	s13 =	sand.u32 $0x1, s10  }
0x16: {  	p0 =	seq.s32 s13, $0x0  }
.Ltmp3:
0x17: {  	_ = 	snop;
	(pc) =	sbr.rel @p0 .LBB2_9-.Ltmp3, $1  }
0x18: {  	_ =	sdelay $0x3  }
0x19: {  	_ =	swait.ge [sflag:s5], $0x40  }
0x1a: {  	[sflag:s5] =	ssyncset.done $0x0  }
0x1b: {  	s13 =	simm.s32 $0x0;
	[sflag:s5] =	ssyncadd.s32 $0xFFFFFFC0  }
0x1c: {  	v0 =	vld.msk [tilespmem:s13+$0x40 ss:$0x1], $0xffff;
	_ =	sdelay $0x4  }
0x1d: {  	v1 =	vshll.u32 v0, $0x3  }
0x1e: {  	vm2 =	veq.s32 v0, $0x80000000;
	v0 =	vshll.u32 v0, $0x10;
	v1 =	vand.u32 $0xFF80, v1  }
0x1f: {  	v0 =	vand.u32 $0xF0000, v0;
	v1 =	vsel vm2, $0xFFFFFF80, v1  }
0x20: {  	v0 =	vsel vm2, $0xFFFF0000, v0;
	v2 =	vand.u32 $0xFFFFFC00, v1  }
0x21: {  	v1 =	vand.u32 $0x380, v1;
	v0 =	vadd.s32 v0, v2  }
0x22: {  	v0 =	vor.u32 v1, v0  }
0x23: {  	v0 =	vshrl.u32 v0, $0x3;
	_ =	sdelay $0x3  }
0x24: {  	s13 =	simm.s32 $0x2080  }
0x25: {  	[tilespmem:s13], [sflag:$0x1] =	stream.indirect_vreg.gather [hbm:s2], $0x80, v0, vm0, $0x38;
	[tilespmem:$0x4080] =	vst v63  }
0x26: {  	s14 =	simm.s32 $0x2480;
	s31 =	simm.s32 $0x10  }
0x27: {  	[tilespmem:s14], [sflag:$0x1] =	stream.indirect_vreg.gather [hbm:s2], $0x80, v0, vm1, $0x38;
	[tilespmem:$0x4080] =	vst v63  }
0x28: {  	s14 =	simm.s32 $0x80;
	v0 =	vld.msk [tilespmem:s31+$0x40 ss:$0x1], $0xffff  }
.LBB2_5:
0x29: {  	p0 =	sne.s32 s14, $0xC0;
	_ =	sdelay $0x4  }
0x2a: {  	v1 =	vshll.u32 v0, $0x3  }
0x2b: {  	vm2 =	veq.s32 v0, $0x80000000;
	v0 =	vshll.u32 v0, $0x10;
	v1 =	vand.u32 $0xFF80, v1  }
0x2c: {  	v0 =	vand.u32 $0xF0000, v0;
	v1 =	vsel vm2, $0xFFFFFF80, v1  }
0x2d: {  	v0 =	vsel vm2, $0xFFFF0000, v0;
	v2 =	vand.u32 $0xFFFFFC00, v1  }
0x2e: {  	v1 =	vand.u32 $0x380, v1;
	v0 =	vadd.s32 v0, v2  }
0x2f: {  	v0 =	vor.u32 v1, v0  }
0x30: {  	v0 =	vshrl.u32 v0, $0x3;
	_ =	sdelay $0x3  }
.Ltmp4:
0x31: {  	s13 =	sadd.s32 $0x800, s13;
	(pc) =	sbr.rel @p0 .LBB2_5-.Ltmp4, $4  }
0x32: {  	[tilespmem:s13], [sflag:$0x1] =	stream.indirect_vreg.gather [hbm:s2], $0x80, v0, vm0, $0x38;
	[tilespmem:$0x4080] =	vst v63  }
0x33: {  	s15 =	sshra.s32 s14, $0x2;
	s16 =	sadd.s32 $0x400, s13  }
0x34: {  	[tilespmem:s16], [sflag:$0x1] =	stream.indirect_vreg.gather [hbm:s2], $0x80, v0, vm1, $0x38;
	[tilespmem:$0x4080] =	vst v63  }
0x35: {  	s14 =	sadd.s32 $0x40, s14;
	v0 =	vld.msk [tilespmem:s15+$0x40 ss:$0x1], $0xffff  }
0x36: {  	_ =	sdelay $0x3  }
0x37: {  	v1 =	vshll.u32 v0, $0x3  }
0x38: {  	vm2 =	veq.s32 v0, $0x80000000;
	v63 =	vshll.u32 v0, $0x10;
	v1 =	vand.u32 $0xFF80, v1  }
0x39: {  	v0 =	vand.u32 $0xF0000, v63;
	v1 =	vsel vm2, $0xFFFFFF80, v1  }
0x3a: {  	v0 =	vsel vm2, $0xFFFF0000, v0;
	v2 =	vand.u32 $0xFFFFFC00, v1  }
0x3b: {  	v1 =	vand.u32 $0x380, v1;
	v0 =	vadd.s32 v0, v2  }
0x3c: {  	v0 =	vor.u32 v1, v0  }
0x3d: {  	v0 =	vshrl.u32 v0, $0x3;
	_ =	sdelay $0x3  }
0x3e: {  	s13 =	sadd.s32 $0x800, s13  }
0x3f: {  	[tilespmem:s13], [sflag:$0x1] =	stream.indirect_vreg.gather [hbm:s2], $0x80, v0, vm0, $0x38;
	[tilespmem:$0x4080] =	vst v63  }
0x40: {  	s13 =	sadd.s32 $0x400, s13  }
0x41: {  	[tilespmem:s13], [sflag:$0x1] =	stream.indirect_vreg.gather [hbm:s2], $0x80, v0, vm1, $0x38;
	[tilespmem:$0x4080] =	vst v63  }
0x42: {  	s12 =	sshll.u32 s12, $0x4;
	s14 =	simm.s32 $0x80;
	_ =	swait.ge [sflag:s4], $0x2000  }
0x43: {  	s15 =	simm.s32 $0x2480;
	s12 =	sadd.s32 s12, s7;
	[sflag:s4] =	ssyncset.done $0x0  }
0x44: {  	s16 =	sadd.s32 $0x0, s12;
	s13 =	simm.s32 $0x2080;
	[sflag:s4] =	ssyncadd.s32 $0xFFFFE000  }
.LBB2_7:
0x45: {  	[hbm:s16] =	stream.linear.scatter [tilespmem:s13], [sflag:$0x3], $0x400, $0x38;
	[tilespmem:$0x4080] =	vst v63  }
0x46: {  	s16 =	smov.u32 s14;
	s13 =	smov.u32 s15;
	p0 =	sne.s32 s14, $0x380  }
.Ltmp5:
0x47: {  	s14 =	sadd.s32 $0x80, s14;
	(pc) =	sbr.rel @p0 .LBB2_7-.Ltmp5, $2  }
0x48: {  	_ =	sdelay $0x2  }
0x49: {  	s15 =	sadd.s32 $0x400, s15;
	s16 =	sadd.s32 s16, s12  }
.Ltmp6:
0x4a: {  	(pc) =	sbr.rel .LBB2_9-.Ltmp6, $2  }
0x4b: {  	_ =	sdelay $0x2  }
0x4c: {  	[hbm:s16] =	stream.linear.scatter [tilespmem:s13], [sflag:$0x3], $0x400, $0x38;
	[tilespmem:$0x4080] =	vst v63  }
.LBB2_2:
.Ltmp7:
0x4d: {  	(pc) =	sbr.rel .LBB2_10-.Ltmp7, $4  }
0x4e: {  	_ = 	snop  }
0x4f: {  	s12 =	sshrl.u32 s11, $0x3  }
0x50: {  	s13 =	sand.u32 $0x7, s11;
	s12 =	sadd.s32 s3, s12  }
0x51: {  	[tilespmem:s9], [sflag:$0x2] =	stream.linear.gather [hbm4b:s12+s13], $0x40, $0x38;
	[tilespmem:$0x4080] =	vst v63  }
.LBB2_11:
0x52: {  	s2 =	simm.s32 $0x3  }
0x53: {  	_ =	swait.ge [sflag:s2], $0x2000  }
0x54: {  	[sflag:s2] =	ssyncset.done $0x0  }
0x55: {  	[sflag:s2] =	ssyncadd.s32 $0xFFFFE000  }
0x56: {  	_ =	sfence.sel $0x180000  }
0x57: {  	s3 =	simm.s32 $0x2;
	[bflag:$0x0] =	sbarrier.arrive $0xFFFF  }
0x58: {  	[sflag:s3] =	ssyncpa.u1 $0x1  }
0x59: {  	s31 =	simm.s32 $0x1;
	[sflag:s2] =	ssyncpa.u1 $0x1  }
0x5a: {  	[sflag:s31] =	ssyncpa.u1 $0x1  }
0x5b: {  	p0 =	sne.s32 s1, $0x0;
	_ =	strace $0x9000004D  }
0x5c: {  	s0 =	sadd.s32 @!p0 $0x100000, s0;
	[bflag:$0x2] =	sbarrier.arrive $0xFFFF  }
0x5d: {  	[sflag:s0] =	ssyncadd.tile.s32 @!p0 $0x1;
	_ =	shalt  }
.Lfunc_end2:
_tile_overlayer_lowered:
.L_overlay_start_2:
0x5e: {  	(tag) =	ssettag $0x2  }
0x5f: {  	s0 =	rddreg [dreg:$0x0];
	s2 =	stileid.u32  }
0x60: {  	s1 =	rddreg [dreg:$0x1];
	p0 =	sne.s32 s2, $0x0  }
0x61: {  	s3 =	rddreg [dreg:$0x2];
	[bflag:$0x3] =	sbarrier.arrive $0xFFFF;
	s2 =	simm.s32 @!p0 $0x1C01  }
0x62: {  	[timem:s3], [sflag:s2] =	dma.local @!p0 [hbm:s0], s1  }
0x63: {  	s0 =	simm.s32 @!p0 $0x1  }
0x64: {  	_ =	swait.ge @!p0 [sflag:s0], s1  }
0x65: {  	s1 =	ssub.s32 @!p0 $0x0, s1;
	[sflag:s0] =	ssyncset.done @!p0 $0x0  }
0x66: {  	[sflag:s0] =	ssyncadd.s32 @!p0 s1  }
0x67: {  	[bflag:$0x3] =	sbarrier.arrive $0xFFFF  }
0x68: {  	_ =	shalt  }

// kernel: gather_offload_async_start.2
scs
__scs_entry_jumppad:
0x0: {  	(pc) =	sbr.rel $0x88, $3  }
0x1: {  	(tag) =	ssettag $0x0;
	lr =	simm.s32 $0x1  }
0x2: {  	[smem:$0x3F5D] =	sst lr;
	_ =	strace $0xD0000000  }
0x3: {  	_ = 	snop  }
0x4: {  	_ = 	snop  }
0x5: {  	_ = 	snop  }
0x6: {  	_ = 	snop  }
0x7: {  	_ = 	snop  }
__scs_overlays_trampoline_lowered:
0x8: {  	[smem:$0x3F6C] =	sst s0  }
0x9: {  	[smem:$0x3F6D] =	sst s1  }
0xa: {  	[smem:$0x3F6E] =	sst s2  }
0xb: {  	[smem:$0x3F6F] =	sst s3  }
0xc: {  	[smem:$0x3F70] =	sst s4  }
0xd: {  	[smem:$0x3F71] =	sst s5  }
0xe: {  	[smem:$0x3F72] =	sst s6  }
0xf: {  	[smem:$0x3F73] =	sst s7  }
0x10: {  	[smem:$0x3F74] =	sst s8  }
0x11: {  	[smem:$0x3F75] =	sst s9;
	s0 =	simm.s32 @!p0 $0x0  }
0x12: {  	s1 =	sld [smem:$0x3F5B];
	s0 =	simm.s32 @p0 $0x1  }
0x13: {  	[smem:$0x3F76] =	sst s0;
	s0 =	simm.s32 @!p1 $0x0  }
0x14: {  	s2 =	sld [smem:$0x3F5A];
	s0 =	simm.s32 @p1 $0x1  }
0x15: {  	[smem:$0x3F77] =	sst s0;
	s0 =	simm.s32 @!p2 $0x0  }
0x16: {  	s3 =	sld [smem:$0x3FDB];
	s0 =	simm.s32 @p2 $0x1  }
0x17: {  	s4 =	simm.s32 $0x1BF5;
	[smem:$0x3F79] =	sst s0  }
0x18: {  	s0 =	sld [smem:$0x3F5C];
	_ =	swait.ge [sflag:s4], $0x0  }
0x19: {  	s7 =	sld [smem:$0x3F5D]  }
0x1a: {  	s8 =	sadd.s32 $0xFFFFE003, lr  }
0x1b: {  	s9 =	sadd.s32 $0xFFFFFEF7, lr;
	s5 =	simm.s32 $0xFFFFFFFF;
	p2 =	slt.u32 s8, $0xFFFFF086  }
0x1c: {  	p1 =	slt.u32 s9, $0xF7A;
	s5 =	simm.s32 @!p2 $0x0  }
0x1d: {  	s5 =	simm.s32 @p1 $0x1;
	p0 =	seq.s32 s7, s2  }
0x1e: {  	s7 =	smul.u32 @!p0 $0xF7A, s2;
	p2 =	seq.s32 @!p0 s5, $0x0  }
0x1f: {  	s9 =	smul.u32 $0xF7A, s1;
	s8 =	simm.s32 @!p0 $0x1BF5;
	p2 =	por !p2, p0  }
0x20: {  	[sflag:s8] =	ssyncset.s32 @!p0 $0xFFFFF086;
	s6 =	sadd.s32 @!p0 s3, s7;
	s7 =	simm.s32 @!p0 $0x108  }
0x21: {  	s3 =	sadd.s32 s3, s9;
	s6 =	sadd.s32 @!p0 $0x88, s6;
	s7 =	simm.s32 @p2 $0x1082  }
0x22: {  	[simem:s7], [sflag:s8] =	dma.local @!p0 [hbm:s6], $0xF7A  }
0x23: {  	s9 =	sor.u32 $0xD0000000, s2;
	s6 =	simm.s32 $0x108;
	_ =	swait.ge @!p0 [sflag:s8], $0x0  }
0x24: {  	s3 =	sadd.s32 $0x88, s3;
	s6 =	simm.s32 @!p1 $0x1082;
	[sflag:s4] =	ssyncset.s32 $0xFFFFF086  }
0x25: {  	[simem:s6], [sflag:s4] =	dma.local [hbm:s3], $0xF7A  }
0x26: {  	[smem:$0x3F5D] =	sst s1;
	(tag) =	ssettag s2;
	_ =	strace s9  }
0x27: {  	s1 =	sld [smem:$0x3F6D]  }
0x28: {  	s2 =	sld [smem:$0x3F6E]  }
0x29: {  	s4 =	sld [smem:$0x3F70]  }
0x2a: {  	p0 =	seq.s32 s5, $0x0;
	s5 =	sld [smem:$0x3F71]  }
0x2b: {  	s6 =	sld [smem:$0x3F72]  }
0x2c: {  	s7 =	sld [smem:$0x3F73]  }
0x2d: {  	s3 =	simm.s32 $0x108;
	s8 =	sld [smem:$0x3F74]  }
0x2e: {  	s3 =	simm.s32 @!p0 $0x1082;
	s9 =	sld [smem:$0x3F75]  }
0x2f: {  	lr =	sadd.s32 s0, s3;
	s0 =	sld [smem:$0x3F6C]  }
0x30: {  	s3 =	sld [smem:$0x3F6F]  }
0x31: {  	[smem:$0x3F78] =	sst s10  }
0x32: {  	s10 =	sld [smem:$0x3F76];
	_ =	sdelay $0x3  }
0x33: {  	p0 =	seq.s32 s10, $0x1;
	s10 =	sld [smem:$0x3F78];
	_ =	sdelay $0x3  }
0x34: {  	[smem:$0x3F78] =	sst s10  }
0x35: {  	s10 =	sld [smem:$0x3F77];
	_ =	sdelay $0x3  }
0x36: {  	p1 =	seq.s32 s10, $0x1;
	s10 =	sld [smem:$0x3F78];
	_ =	sdelay $0x3  }
0x37: {  	[smem:$0x3F78] =	sst s10  }
0x38: {  	s10 =	sld [smem:$0x3F79]  }
0x39: {  	_ = 	snop;
	(pc) =	sbr.ind lr, $3  }
0x3a: {  	_ = 	snop  }
0x3b: {  	_ = 	snop  }
0x3c: {  	p2 =	seq.s32 s10, $0x1;
	s10 =	sld [smem:$0x3F78]  }
0x3d: {  	_ =	shalt  }
0x3e: {  	_ =	shalt  }
0x3f: {  	_ =	shalt  }
0x40: {  	_ =	shalt  }
0x41: {  	_ =	shalt  }
0x42: {  	_ =	shalt  }
0x43: {  	_ =	shalt  }
0x44: {  	_ =	shalt  }
0x45: {  	_ =	shalt  }
0x46: {  	_ =	shalt  }
0x47: {  	_ =	shalt  }
0x48: {  	_ =	shalt  }
0x49: {  	_ =	shalt  }
0x4a: {  	_ =	shalt  }
0x4b: {  	_ =	shalt  }
0x4c: {  	_ =	shalt  }
0x4d: {  	_ =	shalt  }
0x4e: {  	_ =	shalt  }
0x4f: {  	_ =	shalt  }
0x50: {  	_ =	shalt  }
0x51: {  	_ =	shalt  }
0x52: {  	_ =	shalt  }
0x53: {  	_ =	shalt  }
0x54: {  	_ =	shalt  }
0x55: {  	_ =	shalt  }
0x56: {  	_ =	shalt  }
0x57: {  	_ =	shalt  }
0x58: {  	_ =	shalt  }
0x59: {  	_ =	shalt  }
0x5a: {  	_ =	shalt  }
0x5b: {  	_ =	shalt  }
0x5c: {  	_ =	shalt  }
0x5d: {  	_ =	shalt  }
0x5e: {  	_ =	shalt  }
0x5f: {  	_ =	shalt  }
0x60: {  	_ =	shalt  }
0x61: {  	_ =	shalt  }
0x62: {  	_ =	shalt  }
0x63: {  	_ =	shalt  }
0x64: {  	_ =	shalt  }
0x65: {  	_ =	shalt  }
0x66: {  	_ =	shalt  }
0x67: {  	_ =	shalt  }
0x68: {  	_ =	shalt  }
0x69: {  	_ =	shalt  }
0x6a: {  	_ =	shalt  }
0x6b: {  	_ =	shalt  }
0x6c: {  	_ =	shalt  }
0x6d: {  	_ =	shalt  }
0x6e: {  	_ =	shalt  }
0x6f: {  	_ =	shalt  }
0x70: {  	_ =	shalt  }
0x71: {  	_ =	shalt  }
0x72: {  	_ =	shalt  }
0x73: {  	_ =	shalt  }
0x74: {  	_ =	shalt  }
0x75: {  	_ =	shalt  }
0x76: {  	_ =	shalt  }
0x77: {  	_ =	shalt  }
0x78: {  	_ =	shalt  }
0x79: {  	_ =	shalt  }
0x7a: {  	_ =	shalt  }
0x7b: {  	_ =	shalt  }
0x7c: {  	_ =	shalt  }
0x7d: {  	_ =	shalt  }
0x7e: {  	_ =	shalt  }
0x7f: {  	_ =	shalt  }
0x80: {  	_ =	shalt  }
0x81: {  	_ =	shalt  }
0x82: {  	_ =	shalt  }
0x83: {  	_ =	shalt  }
0x84: {  	_ =	shalt  }
0x85: {  	_ =	shalt  }
0x86: {  	_ =	shalt  }
0x87: {  	_ =	shalt  }
.Lfunc_end0:
.L_simem_size_0:
called_computation.3_lowered:
.L_overlay_start_0:
0x88: {  	s2 =	sld [smem:$0x3FD9]  }
0x89: {  	s3 =	sld [smem:$0x3FFE];
	_ =	sdelay $0x1  }
0x8a: {  	s1 =	srdreg.scid  }
0x8b: {  	s0 =	sand.u32 $0x1, s1  }
0x8c: {  	s16 =	sshll.u32 s0, $0xA;
	s2 =	sadd.s32 s3, s2  }
0x8d: {  	s2 =	sadd.s32 s2, s16  }
0x8e: {  	[smem:$0x3F84] =	sst s2  }
0x8f: {  	_ = 	snop  }
0x90: {  	(tm) =	ssettm $0x1  }
0x91: {  	s17 =	sld [smem:$0x3FFB];
	_ =	sdelay $0x3  }
0x92: {  	_ =	strace s17  }
0x93: {  	s2 =	sld [smem:$0x3FFC];
	_ =	sdelay $0x3  }
0x94: {  	_ =	strace s2  }
0x95: {  	s2 =	sld [smem:$0x3FFD];
	_ =	sdelay $0x3  }
0x96: {  	_ =	strace s2  }
0x97: {  	_ =	strace $0x8FFFFFFF  }
0x98: {  	s18 =	sld [smem:$0x3FDB];
	_ =	sdelay $0x1  }
0x99: {  	s19 =	simm.s32 $_scs_section_size  }
0x9a: {  	s4 =	simm.s32 $_size__tile_overlayer_lowered;
	s5 =	simm.s32 $_tile_overlayer_lowered  }
0x9b: {  	s22 =	simm.s32 $0x1BFF;
	s21 =	sshll.u32 s5, $0x1;
	s2 =	sadd.s32 s19, s18  }
0x9c: {  	s6 =	simm.s32 $0x0;
	s20 =	sshll.u32 s4, $0x1;
	s4 =	sadd.s32 s21, s2  }
0x9d: {  	[timem:s6], [sflag:s22] =	dma.local [hbm:s4], s20  }
0x9e: {  	_ =	swait.ge [sflag:s22], s20  }
0x9f: {  	s3 =	ssub.s32 $0x0, s20;
	[sflag:s22] =	ssyncset.done $0x0  }
0xa0: {  	[sflag:s22] =	ssyncadd.s32 s3;
	_ =	sdelay $0x1  }
0xa1: {  	s23 =	simm.s32 $0x1B8B  }
0xa2: {  	_ =	swait.ge [sflag:s23], $0x1  }
0xa3: {  	[sflag:s23] =	ssyncset.done $0x0  }
0xa4: {  	s25 =	simm.s32 $0x1B8E;
	s24 =	sld [smem:$0x3FFE];
	[sflag:s23] =	ssyncadd.s32 $0xFFFFFFFF  }
0xa5: {  	s26 =	simm.s32 $execute0_lowered;
	[smem:$0x3FD2] =	sst s25  }
0xa6: {  	s4 =	sshll.u32 s26, $0x1;
	_ =	strace $0x8000004F;
	[dreg:$0x1] =	wrdreg $0xFFFFFFFF  }
0xa7: {  	s28 =	simm.s32 $_size_execute0_lowered;
	s2 =	sadd.s32 s2, s4;
	[dreg:$0x0] =	wrdreg $0x0  }
0xa8: {  	s4 =	sshll.u32 s28, $0x1;
	[dreg:$0x2] =	wrdreg s2  }
0xa9: {  	[dreg:$0x3] =	wrdreg s4  }
0xaa: {  	[dreg:$0x4] =	wrdreg $0xC0  }
0xab: {  	_ =	task [dreg:s6], $0x5FFFF  }
0xac: {  	[dreg:$0x1] =	wrdreg $0xFFFFFFFF  }
0xad: {  	[dreg:$0x0] =	wrdreg $0x60  }
0xae: {  	[dreg:$0x2] =	wrdreg s24  }
0xaf: {  	[dreg:$0x3] =	wrdreg $0xA  }
0xb0: {  	_ =	task.clear_ibuf [dreg:s6], $0x4FFFF;
	_ =	strace $0x9000004F  }
0xb1: {  	s29 =	simm.s32 $0xA;
	_ =	strace $0x80000051  }
0xb2: {  	_ =	swait.ge [sflag:s29], $0x1  }
0xb3: {  	[sflag:s29] =	ssyncadd.s32 $0xFFFFFFFF  }
0xb4: {  	_ =	strace $0x90000051  }
0xb5: {  	_ =	sfence  }
0xb6: {  	s30 =	sld [smem:$0x0];
	_ =	sdelay $0x2  }
0xb7: {  	s31 =	sshll.u32 s1, $0xD;
	s1 =	sshrl.u32 s1, $0x2  }
0xb8: {  	s3 =	sand.u32 $0x4000, s31;
	s1 =	sadd.s32 s1, s30  }
0xb9: {  	s0 =	sor.u32 s3, s0;
	s1 =	sshll.u32 s1, $0x11  }
0xba: {  	s0 =	sor.u32 s1, s0  }
0xbb: {  	s0 =	sadd.s32 $0x8F2B, s0  }
0xbc: {  	[sflag:s0] =	ssyncadd.remote.s32 $0x1  }
0xbd: {  	_ =	sfence.sel $0xFFFF  }
0xbe: {  	[dreg:$0x0] =	wrdreg $0xFFFFFFFF;
	(pc) =	sbr.abs _section_cstart, $3  }
0xbf: {  	[dreg:$0x1] =	wrdreg $0xFFFFFFFF  }
0xc0: {  	_ =	task.clear_ibuf [dreg:s6], $0x2FFFF;
	_ =	strace $0x9FFFFFFF  }
0xc1: {  	(tm) =	ssettm $0x7FFFFFFF  }
tec
execute0_lowered:
.L_overlay_start_1:
0x0: {  	(tag) =	ssettag $0x1  }
0x1: {  	s0 =	srdreg.scid;
	s5 =	rddreg [dreg:$0x0]  }
0x2: {  	s1 =	stileid.u32;
	s6 =	simm.s32 $0x1;
	s9 =	simm.s32 $0x1  }
0x3: {  	s10 =	simm.s32 $0x3;
	s13 =	simm.s32 $0x0;
	s2 =	sshll.u32 s0, $0x9  }
0x4: {  	s12 =	simm.s32 $0x0;
	s3 =	sshll.u32 s1, $0xA;
	s2 =	sand.u32 $0x200, s2  }
0x5: {  	s0 =	rddreg [dreg:$0x1];
	_ =	strace $0x80000050;
	s2 =	sor.u32 s3, s2  }
0x6: {  	s4 =	sadd.s32 $0x4800, s5;
	[sflag:s6] =	ssyncpa.u1 $0x0;
	s8 =	ssub.s32 $0x6000, s2  }
.Ltmp0:
0x7: {  	s3 =	sadd.s32 $0x22800, s5;
	s7 =	sand.u32 $0x3E00, s8;
	(pc) =	sbr.rel .LBB2_1-.Ltmp0, $4  }
0x8: {  	s5 =	sadd.s32 $0x5400, s5;
	s11 =	smov.u32 s2;
	p0 =	sne.s32 s7, $0x0  }
0x9: {  	s8 =	sshrl.u32 s8, $0xE;
	s7 =	simm.s32 $0x2;
	s9 =	simm.s32 @!p0 $0x0  }
0xa: {  	[sflag:s7] =	ssyncpa.u1 $0x0;
	p0 =	por $0x0, $0x0;
	s8 =	sadd.s32 s9, s8  }
0xb: {  	vm0 =	vmmov $0xffff;
	[sflag:s10] =	ssyncpa.u1 $0x0;
	s10 =	simm.s32 $0x0;
	s9 =	sadd.s32 $0x1, s8  }
.LBB2_4:
0xc: {  	v3 =	vshrl.u32 v0, $0xD;
	v62 =	vshll.u32 v0, $0x10;
	v2 =	vand.u32 $0xFF80, v2  }
0xd: {  	v3 =	vand.u32 $0x7F, v3;
	v0 =	vand.u32 $0xF0000, v62;
	v2 =	vsel vm1, $0xFFFFFF80, v2  }
0xe: {  	v3 =	vsel vm1, $0xFFFFFFFF, v3;
	v0 =	vsel vm1, $0xFFFF0000, v0;
	v4 =	vand.u32 $0xFFFFFC00, v2  }
0xf: {  	v0 =	vadd.s32 v0, v4;
	v63 =	vand.u32 $0xFFFFFC00, v3  }
0x10: {  	v2 =	vand.u32 $0x380, v2;
	v0 =	vadd.s32 v63, v0  }
0x11: {  	v3 =	vand.u32 $0x7F, v3;
	v0 =	vor.u32 v2, v0  }
0x12: {  	v0 =	vor.u32 v3, v0;
	_ =	sdelay $0x1  }
0x13: {  	(ifvalue) =	ssetifvalue $0x7FFFFFFF;
	s15 =	sadd.s32 $0x10, s15  }
0x14: {  	[tilespmem:s15], [sflag:$0x1] =	stream.indirect_vreg.gather [hbm4b:s3+s10], $0x1, v1, vm0, $0x4038;
	[tilespmem:$0x800] =	vst v63  }
0x15: {  	(ifvalue) =	ssetifvalue $0x7FFFFFFF;
	s15 =	sadd.s32 $0x10, s15  }
0x16: {  	[tilespmem:s15], [sflag:$0x1] =	stream.indirect_vreg.gather [hbm4b:s3+s10], $0x1, v0, vm0, $0x4038;
	[tilespmem:$0x800] =	vst v63  }
0x17: {  	_ =	swait.ge [sflag:s6], $0x200  }
0x18: {  	s30 =	sshrl.u32 s13, $0x3;
	[sflag:s6] =	ssyncset.done $0x0  }
0x19: {  	s31 =	sand.u32 $0x7, s13;
	s15 =	sadd.s32 s5, s30;
	[sflag:s6] =	ssyncadd.s32 $0xFFFFFE00  }
0x1a: {  	[hbm4b:s15+s31] =	stream.linear.scatter [tilespmem:s14], [sflag:$0x3], $0x200, $0x38;
	[tilespmem:$0x800] =	vst v63  }
.LBB2_5:
0x1b: {  	s15 =	sadd.s32 $0x4000, s11  }
0x1c: {  	p2 =	sgt.s32 s15, $0x5FFF  }
0x1d: {  	s15 =	smov.u32 @p2 s2;
	p2 =	sne.s32 s12, s9  }
.Ltmp1:
0x1e: {  	p1 =	slt.u32 s12, $0x2;
	(pc) =	sbr.rel @!p2 .LBB2_6-.Ltmp1, $4  }
0x1f: {  	s14 =	simm.s32 @!p1 $0x3  }
0x20: {  	s16 =	sadd.s32 $0x1, s12;
	_ =	swait.ge @!p1 [sflag:s14], $0x200  }
0x21: {  	s13 =	smov.u32 s11;
	p0 =	por !p0, !p0;
	[sflag:s14] =	ssyncset.done @!p1 $0x0  }
0x22: {  	s12 =	smov.u32 s16;
	s11 =	smov.u32 s15;
	[sflag:s14] =	ssyncadd.s32 @!p1 $0xFFFFFE00  }
.LBB2_1:
0x23: {  	p1 =	sge.u32 s12, s8  }
0x24: {  	s14 =	sxor.u32 @!p1 $0xFFFFFFFF, s12  }
0x25: {  	s31 =	sadd.s32 $0xFFFFFFFF, s12;
	s15 =	sshrl.u32 @!p1 s11, $0x3;
	s14 =	sshll.u32 @!p1 s14, $0x9  }
0x26: {  	s16 =	sand.u32 @!p1 $0x7, s11;
	s15 =	sadd.s32 @!p1 s4, s15;
	s14 =	sand.u32 @!p1 $0x200, s14  }
0x27: {  	[tilespmem:s14], [sflag:$0x2] =	stream.linear.gather @!p1 [hbm4b:s15+s16], $0x200, $0x38;
	[tilespmem:$0x800] =	vst v63  }
0x28: {  	p1 =	sge.u32 s31, s8  }
.Ltmp2:
0x29: {  	_ = 	snop;
	(pc) =	sbr.rel @p1 .LBB2_5-.Ltmp2, $1  }
0x2a: {  	_ =	sdelay $0x3  }
0x2b: {  	s14 =	simm.s32 $0x1  }
0x2c: {  	_ =	swait.ge [sflag:s7], $0x200;
	s14 =	simm.s32 @!p0 $0x0  }
0x2d: {  	[sflag:s7] =	ssyncset.done $0x0;
	s14 =	sshll.u32 s14, $0x9  }
0x2e: {  	[sflag:s7] =	ssyncadd.s32 $0xFFFFFE00;
	(ifvalue) =	ssetifvalue $0x7FFFFFFF;
	v0 =	vld.msk [tilespmem:s14+$0x0 ss:$0x1], $0xffff;
	_ =	sdelay $0x2  }
0x2f: {  	s15 =	sadd.s32 $0x10, s14  }
0x30: {  	v3 =	vld.msk [tilespmem:s15+$0x0 ss:$0x1], $0xffff  }
0x31: {  	vm1 =	veq.s32 v0, $0x80000000;
	v1 =	vshll.u32 v0, $0x3  }
0x32: {  	v2 =	vshrl.u32 v0, $0xD;
	v0 =	vshll.u32 v0, $0x10;
	v1 =	vand.u32 $0xFF80, v1  }
0x33: {  	v2 =	vand.u32 $0x7F, v2;
	v0 =	vand.u32 $0xF0000, v0;
	v1 =	vsel vm1, $0xFFFFFF80, v1  }
0x34: {  	v2 =	vsel vm1, $0xFFFFFFFF, v2;
	v0 =	vsel vm1, $0xFFFF0000, v0;
	v4 =	vand.u32 $0xFFFFFC00, v1  }
0x35: {  	v62 =	vshrl.u32 v3, $0xD;
	v61 =	vand.u32 $0xFFFFFC00, v2;
	v0 =	vadd.s32 v0, v4  }
0x36: {  	vm1 =	veq.s32 v3, $0x80000000;
	v1 =	vand.u32 $0x380, v1;
	v0 =	vadd.s32 v61, v0  }
0x37: {  	v2 =	vand.u32 $0x7F, v2;
	v0 =	vor.u32 v1, v0;
	v1 =	vshll.u32 v3, $0x3  }
0x38: {  	s17 =	sadd.s32 $0x10, s15;
	v4 =	vand.u32 $0x7F, v62;
	v3 =	vshll.u32 v3, $0x10;
	v1 =	vand.u32 $0xFF80, v1  }
0x39: {  	v2 =	vor.u32 v2, v0;
	v0 =	vld.msk [tilespmem:s17+$0x0 ss:$0x1], $0xffff;
	v3 =	vand.u32 $0xF0000, v3;
	v1 =	vsel vm1, $0xFFFFFF80, v1  }
0x3a: {  	v4 =	vsel vm1, $0xFFFFFFFF, v4;
	v3 =	vsel vm1, $0xFFFF0000, v3;
	v5 =	vand.u32 $0xFFFFFC00, v1  }
0x3b: {  	s31 =	sshll.u32 s12, $0x9;
	v63 =	vand.u32 $0xFFFFFC00, v4;
	v3 =	vadd.s32 v3, v5  }
0x3c: {  	s16 =	simm.s32 $0x20;
	s15 =	sor.u32 $0x400, s14;
	s14 =	sand.u32 $0x200, s31;
	v1 =	vand.u32 $0x380, v1;
	v3 =	vadd.s32 v63, v3  }
0x3d: {  	s14 =	sor.u32 $0x400, s14;
	v4 =	vand.u32 $0x7F, v4;
	(ifvalue) =	ssetifvalue $0x7FFFFFFF;
	s17 =	sadd.s32 $0x10, s17;
	v1 =	vor.u32 v1, v3  }
0x3e: {  	[tilespmem:s15], [sflag:$0x1] =	stream.indirect_vreg.gather [hbm4b:s3+s10], $0x1, v2, vm0, $0x4038;
	vm1 =	veq.s32 v0, $0x80000000;
	v2 =	vshll.u32 v0, $0x3;
	v1 =	vor.u32 v4, v1;
	[tilespmem:$0x800] =	vst v63  }
.LBB2_3:
0x3f: {  	s16 =	sadd.s32 $0x10, s16;
	v3 =	vshrl.u32 v0, $0xD;
	v4 =	vshll.u32 v0, $0x10;
	v0 =	vld.msk [tilespmem:s17+$0x0 ss:$0x1], $0xffff;
	v2 =	vand.u32 $0xFF80, v2  }
0x40: {  	p1 =	slt.u32 s16, $0x1F0;
	v3 =	vand.u32 $0x7F, v3;
	v4 =	vand.u32 $0xF0000, v4;
	v2 =	vsel vm1, $0xFFFFFF80, v2  }
.Ltmp3:
0x41: {  	v3 =	vsel vm1, $0xFFFFFFFF, v3;
	v4 =	vsel vm1, $0xFFFF0000, v4;
	v5 =	vand.u32 $0xFFFFFC00, v2;
	(pc) =	sbr.rel @p1 .LBB2_3-.Ltmp3, $4  }
0x42: {  	s15 =	sadd.s32 $0x10, s15;
	v4 =	vadd.s32 v4, v5;
	v5 =	vand.u32 $0xFFFFFC00, v3;
	(ifvalue) =	ssetifvalue $0x7FFFFFFF  }
0x43: {  	v2 =	vand.u32 $0x380, v2;
	v4 =	vadd.s32 v5, v4;
	[tilespmem:s15], [sflag:$0x1] =	stream.indirect_vreg.gather [hbm4b:s3+s10], $0x1, v1, vm0, $0x4038;
	[tilespmem:$0x800] =	vst v63  }
0x44: {  	v1 =	vand.u32 $0x7F, v3;
	v3 =	vor.u32 v2, v4  }
0x45: {  	s17 =	sadd.s32 $0x10, s17;
	vm1 =	veq.s32 v0, $0x80000000;
	v2 =	vshll.u32 v0, $0x3;
	v1 =	vor.u32 v1, v3  }
.Ltmp4:
0x46: {  	_ = 	snop;
	(pc) =	sbr.rel .LBB2_4-.Ltmp4, $1  }
0x47: {  	_ =	sdelay $0x3  }
.LBB2_6:
0x48: {  	_ =	sfence.sel $0x180000  }
0x49: {  	s2 =	simm.s32 $0x2;
	[bflag:$0x0] =	sbarrier.arrive $0xFFFF  }
0x4a: {  	s30 =	simm.s32 $0x3;
	[sflag:s2] =	ssyncpa.u1 $0x1  }
0x4b: {  	s31 =	simm.s32 $0x1;
	[sflag:s30] =	ssyncpa.u1 $0x1  }
0x4c: {  	[sflag:s31] =	ssyncpa.u1 $0x1  }
0x4d: {  	p0 =	sne.s32 s1, $0x0;
	_ =	strace $0x90000050  }
0x4e: {  	s0 =	sadd.s32 @!p0 $0x100000, s0;
	[bflag:$0x2] =	sbarrier.arrive $0xFFFF  }
0x4f: {  	[sflag:s0] =	ssyncadd.tile.s32 @!p0 $0x1;
	_ =	shalt  }
.Lfunc_end2:
_tile_overlayer_lowered:
.L_overlay_start_2:
0x50: {  	(tag) =	ssettag $0x2  }
0x51: {  	s0 =	rddreg [dreg:$0x0];
	s2 =	stileid.u32  }
0x52: {  	s1 =	rddreg [dreg:$0x1];
	p0 =	sne.s32 s2, $0x0  }
0x53: {  	s3 =	rddreg [dreg:$0x2];
	[bflag:$0x3] =	sbarrier.arrive $0xFFFF;
	s2 =	simm.s32 @!p0 $0x1C01  }
0x54: {  	[timem:s3], [sflag:s2] =	dma.local @!p0 [hbm:s0], s1  }
0x55: {  	s0 =	simm.s32 @!p0 $0x1  }
0x56: {  	_ =	swait.ge @!p0 [sflag:s0], s1  }
0x57: {  	s1 =	ssub.s32 @!p0 $0x0, s1;
	[sflag:s0] =	ssyncset.done @!p0 $0x0  }
0x58: {  	[sflag:s0] =	ssyncadd.s32 @!p0 s1  }
0x59: {  	[bflag:$0x3] =	sbarrier.arrive $0xFFFF  }
0x5a: {  	_ =	shalt  }

// kernel: gather_offload_async_start.3
scs
__scs_entry_jumppad:
0x0: {  	(pc) =	sbr.rel $0x88, $3  }
0x1: {  	(tag) =	ssettag $0x0;
	lr =	simm.s32 $0x1  }
0x2: {  	[smem:$0x3F5D] =	sst lr;
	_ =	strace $0xD0000000  }
0x3: {  	_ = 	snop  }
0x4: {  	_ = 	snop  }
0x5: {  	_ = 	snop  }
0x6: {  	_ = 	snop  }
0x7: {  	_ = 	snop  }
__scs_overlays_trampoline_lowered:
0x8: {  	[smem:$0x3F6C] =	sst s0  }
0x9: {  	[smem:$0x3F6D] =	sst s1  }
0xa: {  	[smem:$0x3F6E] =	sst s2  }
0xb: {  	[smem:$0x3F6F] =	sst s3  }
0xc: {  	[smem:$0x3F70] =	sst s4  }
0xd: {  	[smem:$0x3F71] =	sst s5  }
0xe: {  	[smem:$0x3F72] =	sst s6  }
0xf: {  	[smem:$0x3F73] =	sst s7  }
0x10: {  	[smem:$0x3F74] =	sst s8  }
0x11: {  	[smem:$0x3F75] =	sst s9;
	s0 =	simm.s32 @!p0 $0x0  }
0x12: {  	s1 =	sld [smem:$0x3F5B];
	s0 =	simm.s32 @p0 $0x1  }
0x13: {  	[smem:$0x3F76] =	sst s0;
	s0 =	simm.s32 @!p1 $0x0  }
0x14: {  	s2 =	sld [smem:$0x3F5A];
	s0 =	simm.s32 @p1 $0x1  }
0x15: {  	[smem:$0x3F77] =	sst s0;
	s0 =	simm.s32 @!p2 $0x0  }
0x16: {  	s3 =	sld [smem:$0x3FDB];
	s0 =	simm.s32 @p2 $0x1  }
0x17: {  	s4 =	simm.s32 $0x1BF5;
	[smem:$0x3F79] =	sst s0  }
0x18: {  	s0 =	sld [smem:$0x3F5C];
	_ =	swait.ge [sflag:s4], $0x0  }
0x19: {  	s7 =	sld [smem:$0x3F5D]  }
0x1a: {  	s8 =	sadd.s32 $0xFFFFE003, lr  }
0x1b: {  	s9 =	sadd.s32 $0xFFFFFEF7, lr;
	s5 =	simm.s32 $0xFFFFFFFF;
	p2 =	slt.u32 s8, $0xFFFFF086  }
0x1c: {  	p1 =	slt.u32 s9, $0xF7A;
	s5 =	simm.s32 @!p2 $0x0  }
0x1d: {  	s5 =	simm.s32 @p1 $0x1;
	p0 =	seq.s32 s7, s2  }
0x1e: {  	s7 =	smul.u32 @!p0 $0xF7A, s2;
	p2 =	seq.s32 @!p0 s5, $0x0  }
0x1f: {  	s9 =	smul.u32 $0xF7A, s1;
	s8 =	simm.s32 @!p0 $0x1BF5;
	p2 =	por !p2, p0  }
0x20: {  	[sflag:s8] =	ssyncset.s32 @!p0 $0xFFFFF086;
	s6 =	sadd.s32 @!p0 s3, s7;
	s7 =	simm.s32 @!p0 $0x108  }
0x21: {  	s3 =	sadd.s32 s3, s9;
	s6 =	sadd.s32 @!p0 $0x88, s6;
	s7 =	simm.s32 @p2 $0x1082  }
0x22: {  	[simem:s7], [sflag:s8] =	dma.local @!p0 [hbm:s6], $0xF7A  }
0x23: {  	s9 =	sor.u32 $0xD0000000, s2;
	s6 =	simm.s32 $0x108;
	_ =	swait.ge @!p0 [sflag:s8], $0x0  }
0x24: {  	s3 =	sadd.s32 $0x88, s3;
	s6 =	simm.s32 @!p1 $0x1082;
	[sflag:s4] =	ssyncset.s32 $0xFFFFF086  }
0x25: {  	[simem:s6], [sflag:s4] =	dma.local [hbm:s3], $0xF7A  }
0x26: {  	[smem:$0x3F5D] =	sst s1;
	(tag) =	ssettag s2;
	_ =	strace s9  }
0x27: {  	s1 =	sld [smem:$0x3F6D]  }
0x28: {  	s2 =	sld [smem:$0x3F6E]  }
0x29: {  	s4 =	sld [smem:$0x3F70]  }
0x2a: {  	p0 =	seq.s32 s5, $0x0;
	s5 =	sld [smem:$0x3F71]  }
0x2b: {  	s6 =	sld [smem:$0x3F72]  }
0x2c: {  	s7 =	sld [smem:$0x3F73]  }
0x2d: {  	s3 =	simm.s32 $0x108;
	s8 =	sld [smem:$0x3F74]  }
0x2e: {  	s3 =	simm.s32 @!p0 $0x1082;
	s9 =	sld [smem:$0x3F75]  }
0x2f: {  	lr =	sadd.s32 s0, s3;
	s0 =	sld [smem:$0x3F6C]  }
0x30: {  	s3 =	sld [smem:$0x3F6F]  }
0x31: {  	[smem:$0x3F78] =	sst s10  }
0x32: {  	s10 =	sld [smem:$0x3F76];
	_ =	sdelay $0x3  }
0x33: {  	p0 =	seq.s32 s10, $0x1;
	s10 =	sld [smem:$0x3F78];
	_ =	sdelay $0x3  }
0x34: {  	[smem:$0x3F78] =	sst s10  }
0x35: {  	s10 =	sld [smem:$0x3F77];
	_ =	sdelay $0x3  }
0x36: {  	p1 =	seq.s32 s10, $0x1;
	s10 =	sld [smem:$0x3F78];
	_ =	sdelay $0x3  }
0x37: {  	[smem:$0x3F78] =	sst s10  }
0x38: {  	s10 =	sld [smem:$0x3F79]  }
0x39: {  	_ = 	snop;
	(pc) =	sbr.ind lr, $3  }
0x3a: {  	_ = 	snop  }
0x3b: {  	_ = 	snop  }
0x3c: {  	p2 =	seq.s32 s10, $0x1;
	s10 =	sld [smem:$0x3F78]  }
0x3d: {  	_ =	shalt  }
0x3e: {  	_ =	shalt  }
0x3f: {  	_ =	shalt  }
0x40: {  	_ =	shalt  }
0x41: {  	_ =	shalt  }
0x42: {  	_ =	shalt  }
0x43: {  	_ =	shalt  }
0x44: {  	_ =	shalt  }
0x45: {  	_ =	shalt  }
0x46: {  	_ =	shalt  }
0x47: {  	_ =	shalt  }
0x48: {  	_ =	shalt  }
0x49: {  	_ =	shalt  }
0x4a: {  	_ =	shalt  }
0x4b: {  	_ =	shalt  }
0x4c: {  	_ =	shalt  }
0x4d: {  	_ =	shalt  }
0x4e: {  	_ =	shalt  }
0x4f: {  	_ =	shalt  }
0x50: {  	_ =	shalt  }
0x51: {  	_ =	shalt  }
0x52: {  	_ =	shalt  }
0x53: {  	_ =	shalt  }
0x54: {  	_ =	shalt  }
0x55: {  	_ =	shalt  }
0x56: {  	_ =	shalt  }
0x57: {  	_ =	shalt  }
0x58: {  	_ =	shalt  }
0x59: {  	_ =	shalt  }
0x5a: {  	_ =	shalt  }
0x5b: {  	_ =	shalt  }
0x5c: {  	_ =	shalt  }
0x5d: {  	_ =	shalt  }
0x5e: {  	_ =	shalt  }
0x5f: {  	_ =	shalt  }
0x60: {  	_ =	shalt  }
0x61: {  	_ =	shalt  }
0x62: {  	_ =	shalt  }
0x63: {  	_ =	shalt  }
0x64: {  	_ =	shalt  }
0x65: {  	_ =	shalt  }
0x66: {  	_ =	shalt  }
0x67: {  	_ =	shalt  }
0x68: {  	_ =	shalt  }
0x69: {  	_ =	shalt  }
0x6a: {  	_ =	shalt  }
0x6b: {  	_ =	shalt  }
0x6c: {  	_ =	shalt  }
0x6d: {  	_ =	shalt  }
0x6e: {  	_ =	shalt  }
0x6f: {  	_ =	shalt  }
0x70: {  	_ =	shalt  }
0x71: {  	_ =	shalt  }
0x72: {  	_ =	shalt  }
0x73: {  	_ =	shalt  }
0x74: {  	_ =	shalt  }
0x75: {  	_ =	shalt  }
0x76: {  	_ =	shalt  }
0x77: {  	_ =	shalt  }
0x78: {  	_ =	shalt  }
0x79: {  	_ =	shalt  }
0x7a: {  	_ =	shalt  }
0x7b: {  	_ =	shalt  }
0x7c: {  	_ =	shalt  }
0x7d: {  	_ =	shalt  }
0x7e: {  	_ =	shalt  }
0x7f: {  	_ =	shalt  }
0x80: {  	_ =	shalt  }
0x81: {  	_ =	shalt  }
0x82: {  	_ =	shalt  }
0x83: {  	_ =	shalt  }
0x84: {  	_ =	shalt  }
0x85: {  	_ =	shalt  }
0x86: {  	_ =	shalt  }
0x87: {  	_ =	shalt  }
.Lfunc_end0:
.L_simem_size_0:
called_computation.4_lowered:
.L_overlay_start_0:
0x88: {  	s2 =	sld [smem:$0x3FD9]  }
0x89: {  	s3 =	sld [smem:$0x3FFE];
	_ =	sdelay $0x1  }
0x8a: {  	s1 =	srdreg.scid  }
0x8b: {  	s0 =	sand.u32 $0x1, s1  }
0x8c: {  	s16 =	sshll.u32 s0, $0xA;
	s2 =	sadd.s32 s3, s2  }
0x8d: {  	s2 =	sadd.s32 s2, s16  }
0x8e: {  	[smem:$0x3F84] =	sst s2  }
0x8f: {  	_ = 	snop  }
0x90: {  	(tm) =	ssettm $0x1  }
0x91: {  	s17 =	sld [smem:$0x3FFB];
	_ =	sdelay $0x3  }
0x92: {  	_ =	strace s17  }
0x93: {  	s2 =	sld [smem:$0x3FFC];
	_ =	sdelay $0x3  }
0x94: {  	_ =	strace s2  }
0x95: {  	s2 =	sld [smem:$0x3FFD];
	_ =	sdelay $0x3  }
0x96: {  	_ =	strace s2  }
0x97: {  	_ =	strace $0x8FFFFFFF  }
0x98: {  	s18 =	sld [smem:$0x3FDB];
	_ =	sdelay $0x1  }
0x99: {  	s19 =	simm.s32 $_scs_section_size  }
0x9a: {  	s4 =	simm.s32 $_size__tile_overlayer_lowered;
	s5 =	simm.s32 $_tile_overlayer_lowered  }
0x9b: {  	s22 =	simm.s32 $0x1BFF;
	s21 =	sshll.u32 s5, $0x1;
	s2 =	sadd.s32 s19, s18  }
0x9c: {  	s6 =	simm.s32 $0x0;
	s20 =	sshll.u32 s4, $0x1;
	s4 =	sadd.s32 s21, s2  }
0x9d: {  	[timem:s6], [sflag:s22] =	dma.local [hbm:s4], s20  }
0x9e: {  	_ =	swait.ge [sflag:s22], s20  }
0x9f: {  	s3 =	ssub.s32 $0x0, s20;
	[sflag:s22] =	ssyncset.done $0x0  }
0xa0: {  	[sflag:s22] =	ssyncadd.s32 s3;
	_ =	sdelay $0x1  }
0xa1: {  	s23 =	simm.s32 $0x1B8B  }
0xa2: {  	_ =	swait.ge [sflag:s23], $0x1  }
0xa3: {  	[sflag:s23] =	ssyncset.done $0x0  }
0xa4: {  	s25 =	simm.s32 $0x1B8E;
	s24 =	sld [smem:$0x3FFE];
	[sflag:s23] =	ssyncadd.s32 $0xFFFFFFFF  }
0xa5: {  	s26 =	simm.s32 $execute0_lowered;
	[smem:$0x3FD2] =	sst s25  }
0xa6: {  	s4 =	sshll.u32 s26, $0x1;
	_ =	strace $0x80000049;
	[dreg:$0x1] =	wrdreg $0xFFFFFFFF  }
0xa7: {  	s28 =	simm.s32 $_size_execute0_lowered;
	s2 =	sadd.s32 s2, s4;
	[dreg:$0x0] =	wrdreg $0x0  }
0xa8: {  	s4 =	sshll.u32 s28, $0x1;
	[dreg:$0x2] =	wrdreg s2  }
0xa9: {  	[dreg:$0x3] =	wrdreg s4  }
0xaa: {  	[dreg:$0x4] =	wrdreg $0xC0  }
0xab: {  	_ =	task [dreg:s6], $0x5FFFF  }
0xac: {  	[dreg:$0x1] =	wrdreg $0xFFFFFFFF  }
0xad: {  	[dreg:$0x0] =	wrdreg $0x60  }
0xae: {  	[dreg:$0x2] =	wrdreg s24  }
0xaf: {  	[dreg:$0x3] =	wrdreg $0x9  }
0xb0: {  	_ =	task.clear_ibuf [dreg:s6], $0x4FFFF;
	_ =	strace $0x90000049  }
0xb1: {  	s29 =	simm.s32 $0x9;
	_ =	strace $0x8000004B  }
0xb2: {  	_ =	swait.ge [sflag:s29], $0x1  }
0xb3: {  	[sflag:s29] =	ssyncadd.s32 $0xFFFFFFFF  }
0xb4: {  	_ =	strace $0x9000004B  }
0xb5: {  	_ =	sfence  }
0xb6: {  	s30 =	sld [smem:$0x0];
	_ =	sdelay $0x2  }
0xb7: {  	s31 =	sshll.u32 s1, $0xD;
	s1 =	sshrl.u32 s1, $0x2  }
0xb8: {  	s3 =	sand.u32 $0x4000, s31;
	s1 =	sadd.s32 s1, s30  }
0xb9: {  	s0 =	sor.u32 s3, s0;
	s1 =	sshll.u32 s1, $0x11  }
0xba: {  	s0 =	sor.u32 s1, s0  }
0xbb: {  	s0 =	sadd.s32 $0x8F2B, s0  }
0xbc: {  	[sflag:s0] =	ssyncadd.remote.s32 $0x1  }
0xbd: {  	_ =	sfence.sel $0xFFFF  }
0xbe: {  	[dreg:$0x0] =	wrdreg $0xFFFFFFFF;
	(pc) =	sbr.abs _section_cstart, $3  }
0xbf: {  	[dreg:$0x1] =	wrdreg $0xFFFFFFFF  }
0xc0: {  	_ =	task.clear_ibuf [dreg:s6], $0x2FFFF;
	_ =	strace $0x9FFFFFFF  }
0xc1: {  	(tm) =	ssettm $0x7FFFFFFF  }
tec
execute0_lowered:
.L_overlay_start_1:
0x0: {  	(tag) =	ssettag $0x1  }
0x1: {  	s0 =	srdreg.scid;
	s5 =	rddreg [dreg:$0x0]  }
0x2: {  	s1 =	stileid.u32;
	s6 =	simm.s32 $0x1;
	s9 =	simm.s32 $0x1  }
0x3: {  	s10 =	simm.s32 $0x3;
	s13 =	simm.s32 $0x0;
	s2 =	sshll.u32 s0, $0xB  }
0x4: {  	s12 =	simm.s32 $0x0;
	s3 =	sshll.u32 s1, $0xC;
	s2 =	sand.u32 $0x800, s2  }
0x5: {  	s0 =	rddreg [dreg:$0x1];
	_ =	strace $0x8000004A;
	s2 =	sor.u32 s3, s2  }
0x6: {  	s4 =	sadd.s32 $0x4800, s5;
	[sflag:s6] =	ssyncpa.u1 $0x0;
	s8 =	ssub.s32 $0x18000, s2  }
.Ltmp0:
0x7: {  	s3 =	sadd.s32 $0x48E400, s5;
	s7 =	sand.u32 $0xF800, s8;
	(pc) =	sbr.rel .LBB2_1-.Ltmp0, $4  }
0x8: {  	s5 =	sadd.s32 $0x7800, s5;
	s11 =	smov.u32 s2;
	p0 =	sne.s32 s7, $0x0  }
0x9: {  	s8 =	sshrl.u32 s8, $0x10;
	s7 =	simm.s32 $0x2;
	s9 =	simm.s32 @!p0 $0x0  }
0xa: {  	[sflag:s7] =	ssyncpa.u1 $0x0;
	p0 =	por $0x0, $0x0;
	s8 =	sadd.s32 s9, s8  }
0xb: {  	vm0 =	vmmov $0xffff;
	[sflag:s10] =	ssyncpa.u1 $0x0;
	s10 =	simm.s32 $0x0;
	s9 =	sadd.s32 $0x1, s8  }
.LBB2_4:
0xc: {  	v3 =	vshrl.u32 v0, $0x4;
	v4 =	vshrl.u32 v0, $0xF;
	v1 =	vor.u32 v1, v2  }
0xd: {  	v62 =	vshll.u32 v0, $0x14;
	v60 =	vand.u32 $0x7FF, v3;
	v61 =	vand.u32 $0x1FF, v4  }
0xe: {  	v0 =	vand.u32 $0xF00000, v62;
	v2 =	vsel vm1, $0xFFFFFFFF, v60;
	v3 =	vsel vm1, $0xFFFFFFFF, v61  }
0xf: {  	v0 =	vsel vm1, $0xFFF00000, v0;
	v63 =	vand.u32 $0x7F, v2;
	v5 =	vshll.u32 v3, $0xB  }
0x10: {  	v2 =	vshll.u32 v2, $0x3;
	v5 =	vand.u32 $0xFFFFC000, v5;
	v0 =	vor.u32 v0, v63  }
0x11: {  	v3 =	vshll.u32 v3, $0x7;
	v2 =	vand.u32 $0xFFFFFC00, v2;
	v0 =	vadd.s32 v5, v0  }
0x12: {  	v3 =	vand.u32 $0x380, v3;
	v0 =	vadd.s32 v2, v0  }
0x13: {  	v0 =	vor.u32 v3, v0;
	_ =	sdelay $0x1  }
0x14: {  	(ifvalue) =	ssetifvalue $0x7FFFFFFF;
	s14 =	sadd.s32 $0x10, s14  }
0x15: {  	[tilespmem:s14], [sflag:$0x1] =	stream.indirect_vreg.gather [hbm4b:s3+s10], $0x1, v1, vm0, $0x4038;
	[tilespmem:$0x2000] =	vst v63  }
0x16: {  	(ifvalue) =	ssetifvalue $0x7FFFFFFF;
	s14 =	sadd.s32 $0x10, s14  }
0x17: {  	[tilespmem:s14], [sflag:$0x1] =	stream.indirect_vreg.gather [hbm4b:s3+s10], $0x1, v0, vm0, $0x4038;
	[tilespmem:$0x2000] =	vst v63  }
0x18: {  	_ =	swait.ge [sflag:s6], $0x800  }
0x19: {  	s30 =	sshrl.u32 s13, $0x3;
	[sflag:s6] =	ssyncset.done $0x0  }
0x1a: {  	s31 =	sand.u32 $0x7, s13;
	s14 =	sadd.s32 s5, s30;
	[sflag:s6] =	ssyncadd.s32 $0xFFFFF800  }
0x1b: {  	[hbm4b:s14+s31] =	stream.linear.scatter [tilespmem:s15], [sflag:$0x3], $0x800, $0x38;
	[tilespmem:$0x2000] =	vst v63  }
.LBB2_5:
0x1c: {  	s15 =	sadd.s32 $0x10000, s11  }
0x1d: {  	p2 =	sgt.s32 s15, $0x17FFF  }
0x1e: {  	s15 =	smov.u32 @p2 s2;
	p2 =	sne.s32 s12, s9  }
.Ltmp1:
0x1f: {  	p1 =	slt.u32 s12, $0x2;
	(pc) =	sbr.rel @!p2 .LBB2_6-.Ltmp1, $4  }
0x20: {  	s14 =	simm.s32 @!p1 $0x3  }
0x21: {  	s16 =	sadd.s32 $0x1, s12;
	_ =	swait.ge @!p1 [sflag:s14], $0x800  }
0x22: {  	s13 =	smov.u32 s11;
	p0 =	por !p0, !p0;
	[sflag:s14] =	ssyncset.done @!p1 $0x0  }
0x23: {  	s12 =	smov.u32 s16;
	s11 =	smov.u32 s15;
	[sflag:s14] =	ssyncadd.s32 @!p1 $0xFFFFF800  }
.LBB2_1:
0x24: {  	p1 =	sge.u32 s12, s8  }
0x25: {  	s14 =	sxor.u32 @!p1 $0xFFFFFFFF, s12  }
0x26: {  	s31 =	sadd.s32 $0xFFFFFFFF, s12;
	s15 =	sshrl.u32 @!p1 s11, $0x3;
	s14 =	sshll.u32 @!p1 s14, $0xB  }
0x27: {  	s16 =	sand.u32 @!p1 $0x7, s11;
	s15 =	sadd.s32 @!p1 s4, s15;
	s14 =	sand.u32 @!p1 $0x800, s14  }
0x28: {  	[tilespmem:s14], [sflag:$0x2] =	stream.linear.gather @!p1 [hbm4b:s15+s16], $0x800, $0x38;
	[tilespmem:$0x2000] =	vst v63  }
0x29: {  	p1 =	sge.u32 s31, s8  }
.Ltmp2:
0x2a: {  	_ = 	snop;
	(pc) =	sbr.rel @p1 .LBB2_5-.Ltmp2, $1  }
0x2b: {  	_ =	sdelay $0x3  }
0x2c: {  	s14 =	simm.s32 $0x1  }
0x2d: {  	_ =	swait.ge [sflag:s7], $0x800;
	s14 =	simm.s32 @!p0 $0x0  }
0x2e: {  	[sflag:s7] =	ssyncset.done $0x0;
	s14 =	sshll.u32 s14, $0xB  }
0x2f: {  	[sflag:s7] =	ssyncadd.s32 $0xFFFFF800;
	(ifvalue) =	ssetifvalue $0x7FFFFFFF;
	v0 =	vld.msk [tilespmem:s14+$0x0 ss:$0x1], $0xffff;
	_ =	sdelay $0x4  }
0x30: {  	s15 =	sadd.s32 $0x10, s14;
	vm1 =	veq.s32 v0, $0x80000000;
	v1 =	vshrl.u32 v0, $0x4;
	v2 =	vshrl.u32 v0, $0xF  }
0x31: {  	v3 =	vld.msk [tilespmem:s15+$0x0 ss:$0x1], $0xffff;
	v0 =	vshll.u32 v0, $0x14;
	v1 =	vand.u32 $0x7FF, v1;
	v2 =	vand.u32 $0x1FF, v2  }
0x32: {  	v0 =	vand.u32 $0xF00000, v0;
	v1 =	vsel vm1, $0xFFFFFFFF, v1;
	v2 =	vsel vm1, $0xFFFFFFFF, v2  }
0x33: {  	v0 =	vsel vm1, $0xFFF00000, v0;
	v4 =	vand.u32 $0x7F, v1;
	v5 =	vshll.u32 v2, $0xB  }
0x34: {  	v1 =	vshll.u32 v1, $0x3;
	v5 =	vand.u32 $0xFFFFC000, v5;
	v0 =	vor.u32 v0, v4  }
0x35: {  	v2 =	vshll.u32 v2, $0x7;
	v1 =	vand.u32 $0xFFFFFC00, v1;
	v0 =	vadd.s32 v5, v0  }
0x36: {  	v62 =	vshrl.u32 v3, $0xF;
	v2 =	vand.u32 $0x380, v2;
	v0 =	vadd.s32 v1, v0  }
0x37: {  	s17 =	sadd.s32 $0x10, s15;
	vm1 =	veq.s32 v3, $0x80000000;
	v1 =	vor.u32 v2, v0;
	v2 =	vshrl.u32 v3, $0x4  }
0x38: {  	v4 =	vand.u32 $0x1FF, v62;
	v0 =	vld.msk [tilespmem:s17+$0x0 ss:$0x1], $0xffff;
	v3 =	vshll.u32 v3, $0x14;
	v2 =	vand.u32 $0x7FF, v2  }
0x39: {  	v4 =	vsel vm1, $0xFFFFFFFF, v4;
	v3 =	vand.u32 $0xF00000, v3;
	v2 =	vsel vm1, $0xFFFFFFFF, v2  }
0x3a: {  	s31 =	sshll.u32 s12, $0xB;
	v6 =	vshll.u32 v4, $0xB;
	v3 =	vsel vm1, $0xFFF00000, v3;
	v63 =	vand.u32 $0x7F, v2  }
0x3b: {  	s14 =	sor.u32 $0x1000, s14;
	s15 =	sand.u32 $0x800, s31;
	(ifvalue) =	ssetifvalue $0x7FFFFFFF;
	v6 =	vand.u32 $0xFFFFC000, v6;
	v2 =	vshll.u32 v2, $0x3;
	v3 =	vor.u32 v3, v63  }
0x3c: {  	v2 =	vand.u32 $0xFFFFFC00, v2;
	[tilespmem:s14], [sflag:$0x1] =	stream.indirect_vreg.gather [hbm4b:s3+s10], $0x1, v1, vm0, $0x4038;
	v1 =	vshll.u32 v4, $0x7;
	v3 =	vadd.s32 v6, v3;
	[tilespmem:$0x2000] =	vst v63  }
0x3d: {  	s16 =	simm.s32 $0x20;
	s15 =	sor.u32 $0x1000, s15;
	s17 =	sadd.s32 $0x10, s17;
	vm1 =	veq.s32 v0, $0x80000000;
	v1 =	vand.u32 $0x380, v1;
	v2 =	vadd.s32 v2, v3  }
.LBB2_3:
0x3e: {  	v3 =	vld.msk [tilespmem:s17+$0x0 ss:$0x1], $0xffff;
	v4 =	vshrl.u32 v0, $0x4;
	v5 =	vshrl.u32 v0, $0xF;
	v1 =	vor.u32 v1, v2;
	s16 =	sadd.s32 $0x10, s16  }
0x3f: {  	v0 =	vshll.u32 v0, $0x14;
	v2 =	vand.u32 $0x7FF, v4;
	v4 =	vand.u32 $0x1FF, v5;
	p1 =	slt.u32 s16, $0x7F0  }
.Ltmp3:
0x40: {  	v0 =	vand.u32 $0xF00000, v0;
	v2 =	vsel vm1, $0xFFFFFFFF, v2;
	v4 =	vsel vm1, $0xFFFFFFFF, v4;
	(pc) =	sbr.rel @p1 .LBB2_3-.Ltmp3, $4  }
0x41: {  	v0 =	vsel vm1, $0xFFF00000, v0;
	v5 =	vand.u32 $0x7F, v2;
	v6 =	vshll.u32 v4, $0xB  }
0x42: {  	s14 =	sadd.s32 $0x10, s14;
	v2 =	vshll.u32 v2, $0x3;
	v6 =	vand.u32 $0xFFFFC000, v6;
	v7 =	vor.u32 v0, v5;
	(ifvalue) =	ssetifvalue $0x7FFFFFFF  }
0x43: {  	v4 =	vshll.u32 v4, $0x7;
	v2 =	vand.u32 $0xFFFFFC00, v2;
	v5 =	vadd.s32 v6, v7;
	[tilespmem:s14], [sflag:$0x1] =	stream.indirect_vreg.gather [hbm4b:s3+s10], $0x1, v1, vm0, $0x4038;
	[tilespmem:$0x2000] =	vst v63  }
0x44: {  	s17 =	sadd.s32 $0x10, s17;
	vm1 =	veq.s32 v3, $0x80000000;
	v1 =	vand.u32 $0x380, v4;
	v0 =	vmovc v3;
	v2 =	vadd.s32 v2, v5  }
.Ltmp4:
0x45: {  	_ = 	snop;
	(pc) =	sbr.rel .LBB2_4-.Ltmp4, $1  }
0x46: {  	_ =	sdelay $0x3  }
.LBB2_6:
0x47: {  	_ =	sfence.sel $0x180000  }
0x48: {  	s2 =	simm.s32 $0x2;
	[bflag:$0x0] =	sbarrier.arrive $0xFFFF  }
0x49: {  	s30 =	simm.s32 $0x3;
	[sflag:s2] =	ssyncpa.u1 $0x1  }
0x4a: {  	s31 =	simm.s32 $0x1;
	[sflag:s30] =	ssyncpa.u1 $0x1  }
0x4b: {  	[sflag:s31] =	ssyncpa.u1 $0x1  }
0x4c: {  	p0 =	sne.s32 s1, $0x0;
	_ =	strace $0x9000004A  }
0x4d: {  	s0 =	sadd.s32 @!p0 $0x100000, s0;
	[bflag:$0x2] =	sbarrier.arrive $0xFFFF  }
0x4e: {  	[sflag:s0] =	ssyncadd.tile.s32 @!p0 $0x1;
	_ =	shalt  }
.Lfunc_end2:
_tile_overlayer_lowered:
.L_overlay_start_2:
0x4f: {  	(tag) =	ssettag $0x2  }
0x50: {  	s0 =	rddreg [dreg:$0x0];
	s2 =	stileid.u32  }
0x51: {  	s1 =	rddreg [dreg:$0x1];
	p0 =	sne.s32 s2, $0x0  }
0x52: {  	s3 =	rddreg [dreg:$0x2];
	[bflag:$0x3] =	sbarrier.arrive $0xFFFF;
	s2 =	simm.s32 @!p0 $0x1C01  }
0x53: {  	[timem:s3], [sflag:s2] =	dma.local @!p0 [hbm:s0], s1  }
0x54: {  	s0 =	simm.s32 @!p0 $0x1  }
0x55: {  	_ =	swait.ge @!p0 [sflag:s0], s1  }
0x56: {  	s1 =	ssub.s32 @!p0 $0x0, s1;
	[sflag:s0] =	ssyncset.done @!p0 $0x0  }
0x57: {  	[sflag:s0] =	ssyncadd.s32 @!p0 s1  }
0x58: {  	[bflag:$0x3] =	sbarrier.arrive $0xFFFF  }
0x59: {  	_ =	shalt  }

// kernel: gather_offload_async_start
scs
__scs_entry_jumppad:
0x0: {  	(pc) =	sbr.rel $0x88, $3  }
0x1: {  	(tag) =	ssettag $0x0;
	lr =	simm.s32 $0x1  }
0x2: {  	[smem:$0x3F5D] =	sst lr;
	_ =	strace $0xD0000000  }
0x3: {  	_ = 	snop  }
0x4: {  	_ = 	snop  }
0x5: {  	_ = 	snop  }
0x6: {  	_ = 	snop  }
0x7: {  	_ = 	snop  }
__scs_overlays_trampoline_lowered:
0x8: {  	[smem:$0x3F6C] =	sst s0  }
0x9: {  	[smem:$0x3F6D] =	sst s1  }
0xa: {  	[smem:$0x3F6E] =	sst s2  }
0xb: {  	[smem:$0x3F6F] =	sst s3  }
0xc: {  	[smem:$0x3F70] =	sst s4  }
0xd: {  	[smem:$0x3F71] =	sst s5  }
0xe: {  	[smem:$0x3F72] =	sst s6  }
0xf: {  	[smem:$0x3F73] =	sst s7  }
0x10: {  	[smem:$0x3F74] =	sst s8  }
0x11: {  	[smem:$0x3F75] =	sst s9;
	s0 =	simm.s32 @!p0 $0x0  }
0x12: {  	s1 =	sld [smem:$0x3F5B];
	s0 =	simm.s32 @p0 $0x1  }
0x13: {  	[smem:$0x3F76] =	sst s0;
	s0 =	simm.s32 @!p1 $0x0  }
0x14: {  	s2 =	sld [smem:$0x3F5A];
	s0 =	simm.s32 @p1 $0x1  }
0x15: {  	[smem:$0x3F77] =	sst s0;
	s0 =	simm.s32 @!p2 $0x0  }
0x16: {  	s3 =	sld [smem:$0x3FDB];
	s0 =	simm.s32 @p2 $0x1  }
0x17: {  	s4 =	simm.s32 $0x1BF5;
	[smem:$0x3F79] =	sst s0  }
0x18: {  	s0 =	sld [smem:$0x3F5C];
	_ =	swait.ge [sflag:s4], $0x0  }
0x19: {  	s7 =	sld [smem:$0x3F5D]  }
0x1a: {  	s8 =	sadd.s32 $0xFFFFE003, lr  }
0x1b: {  	s9 =	sadd.s32 $0xFFFFFEF7, lr;
	s5 =	simm.s32 $0xFFFFFFFF;
	p2 =	slt.u32 s8, $0xFFFFF086  }
0x1c: {  	p1 =	slt.u32 s9, $0xF7A;
	s5 =	simm.s32 @!p2 $0x0  }
0x1d: {  	s5 =	simm.s32 @p1 $0x1;
	p0 =	seq.s32 s7, s2  }
0x1e: {  	s7 =	smul.u32 @!p0 $0xF7A, s2;
	p2 =	seq.s32 @!p0 s5, $0x0  }
0x1f: {  	s9 =	smul.u32 $0xF7A, s1;
	s8 =	simm.s32 @!p0 $0x1BF5;
	p2 =	por !p2, p0  }
0x20: {  	[sflag:s8] =	ssyncset.s32 @!p0 $0xFFFFF086;
	s6 =	sadd.s32 @!p0 s3, s7;
	s7 =	simm.s32 @!p0 $0x108  }
0x21: {  	s3 =	sadd.s32 s3, s9;
	s6 =	sadd.s32 @!p0 $0x88, s6;
	s7 =	simm.s32 @p2 $0x1082  }
0x22: {  	[simem:s7], [sflag:s8] =	dma.local @!p0 [hbm:s6], $0xF7A  }
0x23: {  	s9 =	sor.u32 $0xD0000000, s2;
	s6 =	simm.s32 $0x108;
	_ =	swait.ge @!p0 [sflag:s8], $0x0  }
0x24: {  	s3 =	sadd.s32 $0x88, s3;
	s6 =	simm.s32 @!p1 $0x1082;
	[sflag:s4] =	ssyncset.s32 $0xFFFFF086  }
0x25: {  	[simem:s6], [sflag:s4] =	dma.local [hbm:s3], $0xF7A  }
0x26: {  	[smem:$0x3F5D] =	sst s1;
	(tag) =	ssettag s2;
	_ =	strace s9  }
0x27: {  	s1 =	sld [smem:$0x3F6D]  }
0x28: {  	s2 =	sld [smem:$0x3F6E]  }
0x29: {  	s4 =	sld [smem:$0x3F70]  }
0x2a: {  	p0 =	seq.s32 s5, $0x0;
	s5 =	sld [smem:$0x3F71]  }
0x2b: {  	s6 =	sld [smem:$0x3F72]  }
0x2c: {  	s7 =	sld [smem:$0x3F73]  }
0x2d: {  	s3 =	simm.s32 $0x108;
	s8 =	sld [smem:$0x3F74]  }
0x2e: {  	s3 =	simm.s32 @!p0 $0x1082;
	s9 =	sld [smem:$0x3F75]  }
0x2f: {  	lr =	sadd.s32 s0, s3;
	s0 =	sld [smem:$0x3F6C]  }
0x30: {  	s3 =	sld [smem:$0x3F6F]  }
0x31: {  	[smem:$0x3F78] =	sst s10  }
0x32: {  	s10 =	sld [smem:$0x3F76];
	_ =	sdelay $0x3  }
0x33: {  	p0 =	seq.s32 s10, $0x1;
	s10 =	sld [smem:$0x3F78];
	_ =	sdelay $0x3  }
0x34: {  	[smem:$0x3F78] =	sst s10  }
0x35: {  	s10 =	sld [smem:$0x3F77];
	_ =	sdelay $0x3  }
0x36: {  	p1 =	seq.s32 s10, $0x1;
	s10 =	sld [smem:$0x3F78];
	_ =	sdelay $0x3  }
0x37: {  	[smem:$0x3F78] =	sst s10  }
0x38: {  	s10 =	sld [smem:$0x3F79]  }
0x39: {  	_ = 	snop;
	(pc) =	sbr.ind lr, $3  }
0x3a: {  	_ = 	snop  }
0x3b: {  	_ = 	snop  }
0x3c: {  	p2 =	seq.s32 s10, $0x1;
	s10 =	sld [smem:$0x3F78]  }
0x3d: {  	_ =	shalt  }
0x3e: {  	_ =	shalt  }
0x3f: {  	_ =	shalt  }
0x40: {  	_ =	shalt  }
0x41: {  	_ =	shalt  }
0x42: {  	_ =	shalt  }
0x43: {  	_ =	shalt  }
0x44: {  	_ =	shalt  }
0x45: {  	_ =	shalt  }
0x46: {  	_ =	shalt  }
0x47: {  	_ =	shalt  }
0x48: {  	_ =	shalt  }
0x49: {  	_ =	shalt  }
0x4a: {  	_ =	shalt  }
0x4b: {  	_ =	shalt  }
0x4c: {  	_ =	shalt  }
0x4d: {  	_ =	shalt  }
0x4e: {  	_ =	shalt  }
0x4f: {  	_ =	shalt  }
0x50: {  	_ =	shalt  }
0x51: {  	_ =	shalt  }
0x52: {  	_ =	shalt  }
0x53: {  	_ =	shalt  }
0x54: {  	_ =	shalt  }
0x55: {  	_ =	shalt  }
0x56: {  	_ =	shalt  }
0x57: {  	_ =	shalt  }
0x58: {  	_ =	shalt  }
0x59: {  	_ =	shalt  }
0x5a: {  	_ =	shalt  }
0x5b: {  	_ =	shalt  }
0x5c: {  	_ =	shalt  }
0x5d: {  	_ =	shalt  }
0x5e: {  	_ =	shalt  }
0x5f: {  	_ =	shalt  }
0x60: {  	_ =	shalt  }
0x61: {  	_ =	shalt  }
0x62: {  	_ =	shalt  }
0x63: {  	_ =	shalt  }
0x64: {  	_ =	shalt  }
0x65: {  	_ =	shalt  }
0x66: {  	_ =	shalt  }
0x67: {  	_ =	shalt  }
0x68: {  	_ =	shalt  }
0x69: {  	_ =	shalt  }
0x6a: {  	_ =	shalt  }
0x6b: {  	_ =	shalt  }
0x6c: {  	_ =	shalt  }
0x6d: {  	_ =	shalt  }
0x6e: {  	_ =	shalt  }
0x6f: {  	_ =	shalt  }
0x70: {  	_ =	shalt  }
0x71: {  	_ =	shalt  }
0x72: {  	_ =	shalt  }
0x73: {  	_ =	shalt  }
0x74: {  	_ =	shalt  }
0x75: {  	_ =	shalt  }
0x76: {  	_ =	shalt  }
0x77: {  	_ =	shalt  }
0x78: {  	_ =	shalt  }
0x79: {  	_ =	shalt  }
0x7a: {  	_ =	shalt  }
0x7b: {  	_ =	shalt  }
0x7c: {  	_ =	shalt  }
0x7d: {  	_ =	shalt  }
0x7e: {  	_ =	shalt  }
0x7f: {  	_ =	shalt  }
0x80: {  	_ =	shalt  }
0x81: {  	_ =	shalt  }
0x82: {  	_ =	shalt  }
0x83: {  	_ =	shalt  }
0x84: {  	_ =	shalt  }
0x85: {  	_ =	shalt  }
0x86: {  	_ =	shalt  }
0x87: {  	_ =	shalt  }
.Lfunc_end0:
.L_simem_size_0:
called_computation.1_lowered:
.L_overlay_start_0:
0x88: {  	s2 =	sld [smem:$0x3FD9]  }
0x89: {  	s3 =	sld [smem:$0x3FFE];
	_ =	sdelay $0x1  }
0x8a: {  	s1 =	srdreg.scid  }
0x8b: {  	s0 =	sand.u32 $0x1, s1  }
0x8c: {  	s17 =	sshll.u32 s0, $0xA;
	s2 =	sadd.s32 s3, s2  }
0x8d: {  	s2 =	sadd.s32 s2, s17  }
0x8e: {  	[smem:$0x3F84] =	sst s2  }
0x8f: {  	_ = 	snop  }
0x90: {  	s2 =	sld [smem:$0x3FD0];
	(tm) =	ssettm $0x1  }
0x91: {  	s18 =	sld [smem:$0x3FFB];
	_ =	sdelay $0x3  }
0x92: {  	_ =	strace s18  }
0x93: {  	s3 =	sld [smem:$0x3FFC];
	_ =	sdelay $0x3  }
0x94: {  	_ =	strace s3  }
0x95: {  	s3 =	sld [smem:$0x3FFD];
	_ =	sdelay $0x3  }
0x96: {  	_ =	strace s3  }
0x97: {  	_ =	strace $0x8FFFFFFF  }
0x98: {  	s19 =	sld [smem:$0x3FDB];
	_ =	sdelay $0x1  }
0x99: {  	s4 =	simm.s32 $_scs_section_size  }
0x9a: {  	s5 =	simm.s32 $_size__tile_overlayer_lowered;
	s6 =	simm.s32 $_tile_overlayer_lowered  }
0x9b: {  	s22 =	simm.s32 $0x1BFF;
	s21 =	sshll.u32 s6, $0x1;
	s3 =	sadd.s32 s4, s19  }
0x9c: {  	s7 =	simm.s32 $0x0;
	s20 =	sshll.u32 s5, $0x1;
	s5 =	sadd.s32 s21, s3  }
0x9d: {  	[timem:s7], [sflag:s22] =	dma.local [hbm:s5], s20  }
0x9e: {  	_ =	swait.ge [sflag:s22], s20  }
0x9f: {  	s4 =	ssub.s32 $0x0, s20;
	[sflag:s22] =	ssyncset.done $0x0  }
0xa0: {  	[sflag:s22] =	ssyncadd.s32 s4;
	_ =	sdelay $0x1  }
0xa1: {  	s23 =	simm.s32 $0x1B8B  }
0xa2: {  	_ =	swait.ge [sflag:s23], $0x1  }
0xa3: {  	[sflag:s23] =	ssyncset.done $0x0  }
0xa4: {  	s25 =	simm.s32 $0x1B8E;
	s24 =	sld [smem:$0x3FFE];
	[sflag:s23] =	ssyncadd.s32 $0xFFFFFFFF  }
0xa5: {  	s26 =	simm.s32 $execute0_lowered;
	[smem:$0x3FD2] =	sst s25  }
0xa6: {  	s5 =	sshll.u32 s26, $0x1;
	_ =	strace $0x80000046;
	[dreg:$0x1] =	wrdreg $0xFFFFFFFF  }
0xa7: {  	s28 =	simm.s32 $_size_execute0_lowered;
	s3 =	sadd.s32 s3, s5;
	[dreg:$0x0] =	wrdreg $0x0  }
0xa8: {  	s5 =	sshll.u32 s28, $0x1;
	[dreg:$0x2] =	wrdreg s3  }
0xa9: {  	[dreg:$0x3] =	wrdreg s5  }
0xaa: {  	[dreg:$0x4] =	wrdreg $0xC0  }
0xab: {  	_ =	task [dreg:s7], $0x5FFFF  }
0xac: {  	[dreg:$0x1] =	wrdreg $0xFFFFFFFF  }
0xad: {  	[dreg:$0x0] =	wrdreg $0x60  }
0xae: {  	[dreg:$0x2] =	wrdreg s24  }
0xaf: {  	[dreg:$0x3] =	wrdreg s2  }
0xb0: {  	[dreg:$0x4] =	wrdreg $0x9  }
0xb1: {  	_ =	task.clear_ibuf [dreg:s7], $0x5FFFF;
	_ =	strace $0x90000046  }
0xb2: {  	s29 =	simm.s32 $0x9;
	_ =	strace $0x80000048  }
0xb3: {  	_ =	swait.ge [sflag:s29], $0x1  }
0xb4: {  	[sflag:s29] =	ssyncadd.s32 $0xFFFFFFFF  }
0xb5: {  	_ =	strace $0x90000048  }
0xb6: {  	_ =	sfence  }
0xb7: {  	s30 =	sld [smem:$0x0];
	_ =	sdelay $0x2  }
0xb8: {  	s31 =	sshll.u32 s1, $0xD;
	s1 =	sshrl.u32 s1, $0x2  }
0xb9: {  	s3 =	sand.u32 $0x4000, s31;
	s1 =	sadd.s32 s1, s30  }
0xba: {  	s0 =	sor.u32 s3, s0;
	s1 =	sshll.u32 s1, $0x11  }
0xbb: {  	s0 =	sor.u32 s1, s0  }
0xbc: {  	s0 =	sadd.s32 $0x8F2B, s0  }
0xbd: {  	[sflag:s0] =	ssyncadd.remote.s32 $0x1  }
0xbe: {  	_ =	sfence.sel $0xFFFF  }
0xbf: {  	[dreg:$0x0] =	wrdreg $0xFFFFFFFF;
	(pc) =	sbr.abs _section_cstart, $3  }
0xc0: {  	[dreg:$0x1] =	wrdreg $0xFFFFFFFF  }
0xc1: {  	_ =	task.clear_ibuf [dreg:s7], $0x2FFFF;
	_ =	strace $0x9FFFFFFF  }
0xc2: {  	(tm) =	ssettm $0x7FFFFFFF  }
0xc3: {  	_ =	shalt  }
tec
execute0_lowered:
.L_overlay_start_1:
0x0: {  	(tag) =	ssettag $0x1  }
0x1: {  	s7 =	rddreg [dreg:$0x0]  }
0x2: {  	s2 =	rddreg [dreg:$0x1]  }
0x3: {  	s0 =	rddreg [dreg:$0x2]  }
0x4: {  	s1 =	srdreg.scid;
	_ =	strace $0x80000047;
	s4 =	simm.s32 $0x1  }
0x5: {  	s9 =	simm.s32 $0x3;
	s12 =	simm.s32 $0x0;
	s5 =	sshll.u32 s1, $0x4  }
.Ltmp0:
0x6: {  	s1 =	stileid.u32;
	s5 =	sand.u32 $0x10, s5;
	(pc) =	sbr.rel .LBB2_1-.Ltmp0, $4  }
0x7: {  	s10 =	simm.s32 $0x0;
	s3 =	sadd.s32 $0x1200, s7;
	s6 =	sor.u32 s1, s5  }
0x8: {  	[sflag:s4] =	ssyncpa.u1 $0x0;
	s5 =	simm.s32 $0x2;
	s6 =	sshll.u32 s6, $0x8  }
0x9: {  	s7 =	sadd.s32 $0x81200, s7;
	[sflag:s5] =	ssyncpa.u1 $0x0;
	s8 =	sadd.s32 $0x100, s6  }
0xa: {  	vm0 =	vmmov $0xff;
	vm1 =	vcmask $0x3F20;
	[sflag:s9] =	ssyncpa.u1 $0x0;
	s9 =	simm.s32 $0x100;
	s11 =	smov.u32 s6  }
.LBB2_9:
0xb: {  	p0 =	seq.s32 s10, $0x2  }
.Ltmp1:
0xc: {  	_ = 	snop;
	(pc) =	sbr.rel @p0 .LBB2_11-.Ltmp1, $1  }
0xd: {  	_ =	sdelay $0x3  }
.LBB2_10:
0xe: {  	s12 =	sadd.s32 $0x100, s11  }
0xf: {  	s13 =	smov.u32 s6;
	p0 =	slt.s32 s12, s8  }
0x10: {  	s13 =	smov.u32 @p0 s12  }
0x11: {  	s10 =	sadd.s32 $0x1, s10;
	s12 =	smov.u32 s11;
	s11 =	smov.u32 s13  }
.LBB2_1:
0x12: {  	p0 =	sne.s32 s10, $0x0  }
.Ltmp2:
0x13: {  	_ = 	snop;
	(pc) =	sbr.rel @!p0 .LBB2_2-.Ltmp2, $1  }
0x14: {  	_ =	sdelay $0x3  }
0x15: {  	s13 =	sand.u32 $0x1, s10  }
0x16: {  	p0 =	seq.s32 s13, $0x0  }
.Ltmp3:
0x17: {  	_ = 	snop;
	(pc) =	sbr.rel @p0 .LBB2_9-.Ltmp3, $1  }
0x18: {  	_ =	sdelay $0x3  }
0x19: {  	_ =	swait.ge [sflag:s5], $0x100  }
0x1a: {  	[sflag:s5] =	ssyncset.done $0x0  }
0x1b: {  	s13 =	simm.s32 $0x0;
	[sflag:s5] =	ssyncadd.s32 $0xFFFFFF00  }
0x1c: {  	v0 =	vld.msk [tilespmem:s13+$0x100 ss:$0x1], $0xffff;
	_ =	sdelay $0x4  }
0x1d: {  	v1 =	vshll.u32 v0, $0x3  }
0x1e: {  	vm2 =	veq.s32 v0, $0x80000000;
	v0 =	vshll.u32 v0, $0x12;
	v1 =	vand.u32 $0x3FF80, v1  }
0x1f: {  	v0 =	vand.u32 $0x3C0000, v0;
	v1 =	vsel vm2, $0xFFFFFF80, v1  }
0x20: {  	v0 =	vsel vm2, $0xFFFC0000, v0;
	v2 =	vand.u32 $0xFFFFFC00, v1  }
0x21: {  	v1 =	vand.u32 $0x380, v1;
	v0 =	vadd.s32 v0, v2  }
0x22: {  	v0 =	vor.u32 v1, v0  }
0x23: {  	v0 =	vshrl.u32 v0, $0x3;
	_ =	sdelay $0x3  }
0x24: {  	s13 =	simm.s32 $0x8200  }
0x25: {  	[tilespmem:s13], [sflag:$0x1] =	stream.indirect_vreg.gather [hbm:s3], $0x80, v0, vm0, $0x38;
	[tilespmem:$0x10200] =	vst v63  }
0x26: {  	s14 =	simm.s32 $0x8600;
	s31 =	simm.s32 $0x10  }
0x27: {  	[tilespmem:s14], [sflag:$0x1] =	stream.indirect_vreg.gather [hbm:s3], $0x80, v0, vm1, $0x38;
	[tilespmem:$0x10200] =	vst v63  }
0x28: {  	s14 =	simm.s32 $0x80;
	v0 =	vld.msk [tilespmem:s31+$0x100 ss:$0x1], $0xffff  }
.LBB2_5:
0x29: {  	p0 =	sne.s32 s14, $0x3C0;
	_ =	sdelay $0x4  }
0x2a: {  	v1 =	vshll.u32 v0, $0x3  }
0x2b: {  	vm2 =	veq.s32 v0, $0x80000000;
	v0 =	vshll.u32 v0, $0x12;
	v1 =	vand.u32 $0x3FF80, v1  }
0x2c: {  	v0 =	vand.u32 $0x3C0000, v0;
	v1 =	vsel vm2, $0xFFFFFF80, v1  }
0x2d: {  	v0 =	vsel vm2, $0xFFFC0000, v0;
	v2 =	vand.u32 $0xFFFFFC00, v1  }
0x2e: {  	v1 =	vand.u32 $0x380, v1;
	v0 =	vadd.s32 v0, v2  }
0x2f: {  	v0 =	vor.u32 v1, v0  }
0x30: {  	v0 =	vshrl.u32 v0, $0x3;
	_ =	sdelay $0x3  }
.Ltmp4:
0x31: {  	s13 =	sadd.s32 $0x800, s13;
	(pc) =	sbr.rel @p0 .LBB2_5-.Ltmp4, $4  }
0x32: {  	[tilespmem:s13], [sflag:$0x1] =	stream.indirect_vreg.gather [hbm:s3], $0x80, v0, vm0, $0x38;
	[tilespmem:$0x10200] =	vst v63  }
0x33: {  	s15 =	sshra.s32 s14, $0x2;
	s16 =	sadd.s32 $0x400, s13  }
0x34: {  	[tilespmem:s16], [sflag:$0x1] =	stream.indirect_vreg.gather [hbm:s3], $0x80, v0, vm1, $0x38;
	[tilespmem:$0x10200] =	vst v63  }
0x35: {  	s14 =	sadd.s32 $0x40, s14;
	v0 =	vld.msk [tilespmem:s15+$0x100 ss:$0x1], $0xffff  }
0x36: {  	_ =	sdelay $0x3  }
0x37: {  	v1 =	vshll.u32 v0, $0x3  }
0x38: {  	vm2 =	veq.s32 v0, $0x80000000;
	v63 =	vshll.u32 v0, $0x12;
	v1 =	vand.u32 $0x3FF80, v1  }
0x39: {  	v0 =	vand.u32 $0x3C0000, v63;
	v1 =	vsel vm2, $0xFFFFFF80, v1  }
0x3a: {  	v0 =	vsel vm2, $0xFFFC0000, v0;
	v2 =	vand.u32 $0xFFFFFC00, v1  }
0x3b: {  	v1 =	vand.u32 $0x380, v1;
	v0 =	vadd.s32 v0, v2  }
0x3c: {  	v0 =	vor.u32 v1, v0  }
0x3d: {  	v0 =	vshrl.u32 v0, $0x3;
	_ =	sdelay $0x3  }
0x3e: {  	s13 =	sadd.s32 $0x800, s13  }
0x3f: {  	[tilespmem:s13], [sflag:$0x1] =	stream.indirect_vreg.gather [hbm:s3], $0x80, v0, vm0, $0x38;
	[tilespmem:$0x10200] =	vst v63  }
0x40: {  	s13 =	sadd.s32 $0x400, s13  }
0x41: {  	[tilespmem:s13], [sflag:$0x1] =	stream.indirect_vreg.gather [hbm:s3], $0x80, v0, vm1, $0x38;
	[tilespmem:$0x10200] =	vst v63  }
0x42: {  	s12 =	sshll.u32 s12, $0x4;
	s14 =	simm.s32 $0x80;
	_ =	swait.ge [sflag:s4], $0x8000  }
0x43: {  	s15 =	simm.s32 $0x8600;
	s12 =	sadd.s32 s12, s2;
	[sflag:s4] =	ssyncset.done $0x0  }
0x44: {  	s16 =	sadd.s32 $0x0, s12;
	s13 =	simm.s32 $0x8200;
	[sflag:s4] =	ssyncadd.s32 $0xFFFF8000  }
.LBB2_7:
0x45: {  	[hbm:s16] =	stream.linear.scatter [tilespmem:s13], [sflag:$0x3], $0x400, $0x38;
	[tilespmem:$0x10200] =	vst v63  }
0x46: {  	s16 =	smov.u32 s14;
	s13 =	smov.u32 s15;
	p0 =	sne.s32 s14, $0xF80  }
.Ltmp5:
0x47: {  	s14 =	sadd.s32 $0x80, s14;
	(pc) =	sbr.rel @p0 .LBB2_7-.Ltmp5, $2  }
0x48: {  	_ =	sdelay $0x2  }
0x49: {  	s15 =	sadd.s32 $0x400, s15;
	s16 =	sadd.s32 s16, s12  }
.Ltmp6:
0x4a: {  	(pc) =	sbr.rel .LBB2_9-.Ltmp6, $2  }
0x4b: {  	_ =	sdelay $0x2  }
0x4c: {  	[hbm:s16] =	stream.linear.scatter [tilespmem:s13], [sflag:$0x3], $0x400, $0x38;
	[tilespmem:$0x10200] =	vst v63  }
.LBB2_2:
.Ltmp7:
0x4d: {  	(pc) =	sbr.rel .LBB2_10-.Ltmp7, $4  }
0x4e: {  	_ = 	snop  }
0x4f: {  	s12 =	sshrl.u32 s11, $0x3  }
0x50: {  	s13 =	sand.u32 $0x7, s11;
	s12 =	sadd.s32 s7, s12  }
0x51: {  	[tilespmem:s9], [sflag:$0x2] =	stream.linear.gather [hbm4b:s12+s13], $0x100, $0x38;
	[tilespmem:$0x10200] =	vst v63  }
.LBB2_11:
0x52: {  	s2 =	simm.s32 $0x3  }
0x53: {  	_ =	swait.ge [sflag:s2], $0x8000  }
0x54: {  	[sflag:s2] =	ssyncset.done $0x0  }
0x55: {  	[sflag:s2] =	ssyncadd.s32 $0xFFFF8000  }
0x56: {  	_ =	sfence.sel $0x180000  }
0x57: {  	s3 =	simm.s32 $0x2;
	[bflag:$0x0] =	sbarrier.arrive $0xFFFF  }
0x58: {  	[sflag:s3] =	ssyncpa.u1 $0x1  }
0x59: {  	s31 =	simm.s32 $0x1;
	[sflag:s2] =	ssyncpa.u1 $0x1  }
0x5a: {  	[sflag:s31] =	ssyncpa.u1 $0x1  }
0x5b: {  	p0 =	sne.s32 s1, $0x0;
	_ =	strace $0x90000047  }
0x5c: {  	s0 =	sadd.s32 @!p0 $0x100000, s0;
	[bflag:$0x2] =	sbarrier.arrive $0xFFFF  }
0x5d: {  	[sflag:s0] =	ssyncadd.tile.s32 @!p0 $0x1;
	_ =	shalt  }
.Lfunc_end2:
_tile_overlayer_lowered:
.L_overlay_start_2:
0x5e: {  	(tag) =	ssettag $0x2  }
0x5f: {  	s0 =	rddreg [dreg:$0x0];
	s2 =	stileid.u32  }
0x60: {  	s1 =	rddreg [dreg:$0x1];
	p0 =	sne.s32 s2, $0x0  }
0x61: {  	s3 =	rddreg [dreg:$0x2];
	[bflag:$0x3] =	sbarrier.arrive $0xFFFF;
	s2 =	simm.s32 @!p0 $0x1C01  }
0x62: {  	[timem:s3], [sflag:s2] =	dma.local @!p0 [hbm:s0], s1  }
0x63: {  	s0 =	simm.s32 @!p0 $0x1  }
0x64: {  	_ =	swait.ge @!p0 [sflag:s0], s1  }
0x65: {  	s1 =	ssub.s32 @!p0 $0x0, s1;
	[sflag:s0] =	ssyncset.done @!p0 $0x0  }
0x66: {  	[sflag:s0] =	ssyncadd.s32 @!p0 s1  }
0x67: {  	[bflag:$0x3] =	sbarrier.arrive $0xFFFF  }
0x68: {  	_ =	shalt  }

// kernel: sparse-core-data-format-call.cloned.1.call-start
scs
called_computation_lowered:
.L_overlay_start_0:
0x0: {  	s2 =	sld [smem:$0x3FD9]  }
0x1: {  	s3 =	sld [smem:$0x3FFE];
	_ =	sdelay $0x1  }
0x2: {  	s1 =	srdreg.scid  }
0x3: {  	s0 =	sand.u32 $0x1, s1  }
0x4: {  	s18 =	sshll.u32 s0, $0xA;
	s2 =	sadd.s32 s3, s2  }
0x5: {  	s2 =	sadd.s32 s2, s18  }
0x6: {  	[smem:$0x3F84] =	sst s2  }
0x7: {  	_ = 	snop  }
0x8: {  	(tm) =	ssettm $0x1  }
0x9: {  	s19 =	sld [smem:$0x3FFB];
	_ =	sdelay $0x3  }
0xa: {  	_ =	strace s19  }
0xb: {  	s2 =	sld [smem:$0x3FFC];
	_ =	sdelay $0x3  }
0xc: {  	_ =	strace s2  }
0xd: {  	s2 =	sld [smem:$0x3FFD];
	_ =	sdelay $0x3  }
0xe: {  	_ =	strace s2  }
0xf: {  	_ =	strace $0x8FFFFFFF  }
0x10: {  	s20 =	sld [smem:$0x3FDB];
	_ =	sdelay $0x1  }
0x11: {  	s21 =	simm.s32 $_scs_section_size  }
0x12: {  	s4 =	simm.s32 $_size__tile_overlayer_lowered;
	s5 =	simm.s32 $_tile_overlayer_lowered  }
0x13: {  	s6 =	simm.s32 $0x1BFF;
	s22 =	sshll.u32 s5, $0x1;
	s3 =	sadd.s32 s21, s20  }
0x14: {  	s23 =	simm.s32 $0x0;
	s4 =	sshll.u32 s4, $0x1;
	s5 =	sadd.s32 s22, s3  }
0x15: {  	[timem:s23], [sflag:s6] =	dma.local [hbm:s5], s4  }
0x16: {  	_ =	swait.ge [sflag:s6], s4  }
0x17: {  	s4 =	ssub.s32 $0x0, s4;
	[sflag:s6] =	ssyncset.done $0x0  }
0x18: {  	[sflag:s6] =	ssyncadd.s32 s4;
	_ =	sdelay $0x1  }
0x19: {  	s24 =	simm.s32 $0x1B8B  }
0x1a: {  	_ =	swait.ge [sflag:s24], $0x1  }
0x1b: {  	[sflag:s24] =	ssyncset.done $0x0  }
0x1c: {  	[sflag:s24] =	ssyncadd.s32 $0xFFFFFFFF  }
0x1d: {  	s4 =	sld [smem:$0x0]  }
0x1e: {  	s5 =	sand.u32 $0xFFFFFFFE, s1  }
0x1f: {  	p0 =	sne.s32 s1, s5  }
0x20: {  	s5 =	sshll.u32 @p0 s5, $0xE  }
0x21: {  	s5 =	sadd.s32 @p0 $0x11B8D, s5;
	s6 =	sshll.u32 @p0 s4, $0x11  }
0x22: {  	s5 =	sor.u32 @p0 s6, s5  }
0x23: {  	[sflag:s5] =	ssyncadd.remote.s32 @p0 $0x1;
	_ =	sdelay $0x1  }
0x24: {  	s5 =	simm.s32 @p0 $0x1B8D  }
0x25: {  	_ =	swait.eq @p0 [sflag:s5], $0x1  }
0x26: {  	[sflag:s5] =	ssyncadd.s32 @p0 $0xFFFFFFFF  }
0x27: {  	s6 =	sshll.u32 @!p0 s1, $0xE  }
0x28: {  	s6 =	sor.u32 @!p0 $0x4000, s6;
	s5 =	simm.s32 @!p0 $0x1B8D  }
0x29: {  	s4 =	sshll.u32 @!p0 s4, $0x11;
	s6 =	sadd.s32 @!p0 $0x11B8D, s6;
	_ =	swait.eq @!p0 [sflag:s5], $0x1  }
0x2a: {  	s4 =	sor.u32 @!p0 s4, s6;
	[sflag:s5] =	ssyncadd.s32 @!p0 $0xFFFFFFFF  }
0x2b: {  	s26 =	simm.s32 $0x1B8E;
	s25 =	sld [smem:$0x3FFE];
	[sflag:s4] =	ssyncadd.remote.s32 @!p0 $0x1  }
0x2c: {  	s27 =	simm.s32 $execute0_lowered;
	[smem:$0x3FD2] =	sst s26  }
0x2d: {  	s5 =	sshll.u32 s27, $0x1;
	_ =	strace $0x80000052;
	[dreg:$0x1] =	wrdreg $0xFFFFFFFF  }
0x2e: {  	s28 =	simm.s32 $_size_execute0_lowered;
	s3 =	sadd.s32 s3, s5;
	[dreg:$0x0] =	wrdreg $0x0  }
0x2f: {  	s5 =	sshll.u32 s28, $0x1;
	[dreg:$0x2] =	wrdreg s3  }
0x30: {  	[dreg:$0x3] =	wrdreg s5  }
0x31: {  	[dreg:$0x4] =	wrdreg $0xC0  }
0x32: {  	_ =	task [dreg:s23], $0x5FFFF  }
0x33: {  	[dreg:$0x1] =	wrdreg $0xFFFFFFFF  }
0x34: {  	[dreg:$0x0] =	wrdreg $0x60  }
0x35: {  	[dreg:$0x2] =	wrdreg s25  }
0x36: {  	[dreg:$0x3] =	wrdreg $0x9  }
0x37: {  	_ =	task.clear_ibuf [dreg:s23], $0x4FFFF;
	_ =	strace $0x90000052  }
0x38: {  	s29 =	simm.s32 $0x9;
	_ =	strace $0x80000054  }
0x39: {  	_ =	swait.ge [sflag:s29], $0x1  }
0x3a: {  	[sflag:s29] =	ssyncadd.s32 $0xFFFFFFFF  }
0x3b: {  	_ =	strace $0x90000054  }
0x3c: {  	_ =	sfence  }
0x3d: {  	s30 =	sld [smem:$0x0];
	_ =	sdelay $0x2  }
0x3e: {  	s31 =	sshll.u32 s1, $0xD;
	s1 =	sshrl.u32 s1, $0x2  }
0x3f: {  	s4 =	sand.u32 $0x4000, s31;
	s1 =	sadd.s32 s1, s30  }
0x40: {  	s0 =	sor.u32 s4, s0;
	s1 =	sshll.u32 s1, $0x11  }
0x41: {  	s0 =	sor.u32 s1, s0  }
0x42: {  	s0 =	sadd.s32 $0x8F2B, s0  }
0x43: {  	[sflag:s0] =	ssyncadd.remote.s32 $0x1  }
0x44: {  	_ =	sfence.sel $0xFFFF  }
0x45: {  	[dreg:$0x0] =	wrdreg $0xFFFFFFFF;
	(pc) =	sbr.abs _section_cstart, $3  }
0x46: {  	[dreg:$0x1] =	wrdreg $0xFFFFFFFF  }
0x47: {  	_ =	task.clear_ibuf [dreg:s23], $0x2FFFF;
	_ =	strace $0x9FFFFFFF  }
0x48: {  	(tm) =	ssettm $0x7FFFFFFF  }
0x49: {  	_ =	shalt  }
tec
execute0_lowered:
.L_overlay_start_1:
0x0: {  	(tag) =	ssettag $0x1  }
0x1: {  	s0 =	srdreg.scid  }
0x2: {  	s1 =	rddreg [dreg:$0x0];
	s5 =	simm.s32 $0x1;
	s8 =	simm.s32 $0x2  }
0x3: {  	s13 =	simm.s32 $0x0;
	p0 =	por $0x0, $0x0;
	s12 =	simm.s32 $0x0  }
0x4: {  	s14 =	simm.s32 $0x0;
	s9 =	simm.s32 $0x0;
	s2 =	sshll.u32 s0, $0x1  }
0x5: {  	s10 =	stileid.u32;
	s11 =	simm.s32 $0x0;
	s2 =	sand.u32 $0x2, s2  }
.Ltmp0:
0x6: {  	s0 =	rddreg [dreg:$0x1];
	s6 =	ssub.s32 $0x40, s2;
	(pc) =	sbr.rel .LBB1_1-.Ltmp0, $4  }
0x7: {  	_ =	strace $0x80000053;
	s3 =	sadd.s32 $0x30D600, s1;
	s7 =	sshrl.u32 s6, $0x1  }
0x8: {  	s4 =	sadd.s32 $0x10D600, s1;
	s6 =	sshrl.u32 s6, $0x2;
	s7 =	sand.u32 $0x1, s7  }
0x9: {  	s1 =	stileid.u32;
	[sflag:s5] =	ssyncpa.u1 $0x0;
	s6 =	sadd.s32 s6, s7  }
0xa: {  	[sflag:s8] =	ssyncpa.u1 $0x0;
	s8 =	smov.u32 s2;
	s7 =	sadd.s32 $0x1, s6  }
.LBB1_4:
0xb: {  	v11 =	vld [tilespmem:s18+$0xFFFFFFE0];
	v12 =	vcombine.low v6, v7  }
0xc: {  	v3 =	vperm.xlane.i2c.b16 v3;
	[tilespmem:s20+$0x3870 ss:$0x81] =	vst.msk $0xffff, v9;
	v45 =	vld [tilespmem:s18+$0xFFFFFFF0];
	v4 =	vperm.xlane.i2c.b16 v4  }
0xd: {  	v46 =	vcombine.high v6, v7;
	[tilespmem:s17+$0x2040 ss:$0x81] =	vst.msk $0xffff, v10;
	v47 =	vld [tilespmem:s18+$0x0];
	v5 =	vperm.xlane.i2c.b16 v5  }
0xe: {  	v49 =	vld [tilespmem:s18+$0x10];
	v1 =	vperm.xlane.i2c.b16 v1;
	[tilespmem:s20+$0x810 ss:$0x81] =	vst.msk $0xffff, v12;
	v48 =	vcombine.low v8, v3  }
0xf: {  	v51 =	vld [tilespmem:s18+$0xFFFFFFC0];
	v58 =	vperm.xlane.i2c.b16 v2;
	v50 =	vcombine.low v4, v0;
	[tilespmem:s20+$0x2850 ss:$0x81] =	vst.msk $0xffff, v46  }
0x10: {  	s25 =	sshra.s32 s19, $0x2;
	v3 =	vcombine.high v8, v3;
	v52 =	vcombine.low v1, v5;
	[tilespmem:s20+$0x1020 ss:$0x81] =	vst.msk $0xffff, v48  }
0x11: {  	s15 =	sadd.s32 s25, s15;
	v1 =	vcombine.high v1, v5;
	v55 =	vcombine.high v4, v0;
	[tilespmem:s20+$0x0 ss:$0x81] =	vst.msk $0xffff, v50  }
0x12: {  	[tilespmem:s15+$0x1830 ss:$0x81] =	vst.msk $0xffff, v52;
	v11 =	vperm.xlane.i2c.b16 v11;
	v53 =	vperm.xlane.i2c.b16 v45  }
0x13: {  	[tilespmem:s20+$0x3060 ss:$0x81] =	vst.msk $0xffff, v3;
	v54 =	vperm.xlane.i2c.b16 v47;
	v57 =	vperm.xlane.i2c.b16 v49  }
0x14: {  	[tilespmem:s15+$0x3870 ss:$0x81] =	vst.msk $0xffff, v1;
	v60 =	vperm.xlane.i2c.b16 v51;
	v56 =	vcombine.low v11, v53  }
0x15: {  	[tilespmem:s20+$0x2040 ss:$0x81] =	vst.msk $0xffff, v55;
	v61 =	vcombine.low v54, v57  }
0x16: {  	s26 =	sshll.u32 s12, $0x3;
	s27 =	sshll.u32 s12, $0x1;
	v63 =	vcombine.low v60, v58;
	[tilespmem:s15+$0x810 ss:$0x81] =	vst.msk $0xffff, v56  }
0x17: {  	s14 =	sshll.u32 s14, $0x10;
	s13 =	sshll.u32 s13, $0xA;
	s28 =	sshrl.u32 s12, $0x3;
	v59 =	vcombine.high v11, v53;
	[tilespmem:s15+$0x1020 ss:$0x81] =	vst.msk $0xffff, v61  }
0x18: {  	s17 =	sand.u32 $0x3C00, s26;
	s18 =	sand.u32 $0x80, s27;
	s14 =	sadd.s32 s4, s14;
	v62 =	vcombine.high v54, v57;
	[tilespmem:s15+$0x0 ss:$0x81] =	vst.msk $0xffff, v63  }
0x19: {  	s29 =	sand.u32 $0x7, s28;
	s17 =	sor.u32 s18, s17;
	s13 =	sadd.s32 s13, s14;
	v0 =	vcombine.high v60, v58;
	[tilespmem:s15+$0x2850 ss:$0x81] =	vst.msk $0xffff, v59  }
0x1a: {  	s30 =	sshrl.u32 s17, $0x4;
	s13 =	sadd.s32 s29, s13;
	[tilespmem:s15+$0x3060 ss:$0x81] =	vst.msk $0xffff, v62  }
0x1b: {  	s31 =	sand.u32 $0x7, s12;
	s13 =	sadd.s32 s30, s13;
	[tilespmem:s15+$0x2040 ss:$0x81] =	vst.msk $0xffff, v0  }
0x1c: {  	[hbm4b:s13+s31] =	stream.linear.scatter [tilespmem:s16], [sflag:$0x2], $0x4000, $0x20;
	[tilespmem:$0x10100] =	vst v63  }
.LBB1_5:
0x1d: {  	s15 =	sadd.s32 $0x4, s8  }
0x1e: {  	s12 =	sadd.s32 $0x80, s9;
	s16 =	smov.u32 s9;
	p2 =	sgt.s32 s15, $0x3F  }
0x1f: {  	s16 =	smov.u32 @p2 s12  }
0x20: {  	s18 =	smov.u32 s10;
	s12 =	sadd.s32 $0x10, s10;
	p3 =	sgt.s32 s16, $0x7F  }
0x21: {  	s18 =	smov.u32 @p3 s12  }
0x22: {  	s15 =	smov.u32 @p2 s2;
	p2 =	sgt.s32 s18, $0xF  }
0x23: {  	p1 =	slt.u32 s11, $0x2;
	s18 =	smov.u32 @p2 s1;
	p2 =	sne.s32 s11, s7  }
.Ltmp1:
0x24: {  	s17 =	simm.s32 @!p1 $0x2;
	(pc) =	sbr.rel @!p2 .LBB1_6-.Ltmp1, $4  }
0x25: {  	s13 =	smov.u32 s8;
	s14 =	smov.u32 s10;
	_ =	swait.ge @!p1 [sflag:s17], $0x4000  }
0x26: {  	p0 =	por !p0, !p0;
	[sflag:s17] =	ssyncset.done @!p1 $0x0;
	s8 =	smov.u32 s15  }
0x27: {  	s16 =	simm.s32 @p3 $0x0;
	s12 =	smov.u32 s9;
	[sflag:s17] =	ssyncadd.s32 @!p1 $0xFFFFC000  }
0x28: {  	s9 =	smov.u32 s16;
	s11 =	sadd.s32 $0x1, s11;
	s10 =	smov.u32 s18  }
.LBB1_1:
0x29: {  	p1 =	sge.u32 s11, s6;
	s31 =	sadd.s32 $0xFFFFFFFF, s11  }
0x2a: {  	s15 =	sshll.u32 @!p1 s10, $0x10;
	s16 =	sshll.u32 @!p1 s9, $0x9;
	s17 =	sshll.u32 @!p1 s8, $0x3  }
0x2b: {  	s18 =	sxor.u32 @!p1 $0xFFFFFFFF, s11;
	s15 =	sadd.s32 @!p1 s3, s15;
	s17 =	sand.u32 @!p1 $0x1F0, s17  }
0x2c: {  	s15 =	sadd.s32 @!p1 s16, s15;
	s16 =	sshll.u32 @!p1 s18, $0xE;
	s18 =	simm.s32 @!p1 $0x1000  }
0x2d: {  	s15 =	sadd.s32 @!p1 s17, s15;
	s16 =	sand.u32 @!p1 $0x4000, s16;
	s17 =	simm.s32 @!p1 $0x80  }
0x2e: {  	[tilespmem:s16], [sflag:$0x1] =	stream.strided.gather @!p1 [hbm4b:s15+s17], $0x4000, s18, s17, $0x38;
	[tilespmem:$0x10100] =	vst v63  }
0x2f: {  	p1 =	sge.u32 s31, s6  }
.Ltmp2:
0x30: {  	_ = 	snop;
	(pc) =	sbr.rel @p1 .LBB1_5-.Ltmp2, $1  }
0x31: {  	_ =	sdelay $0x3  }
0x32: {  	s15 =	simm.s32 $0x1  }
0x33: {  	_ =	swait.ge [sflag:s5], $0x4000;
	s15 =	simm.s32 @!p0 $0x0  }
0x34: {  	[sflag:s5] =	ssyncset.done $0x0;
	s16 =	sshll.u32 s15, $0xE  }
0x35: {  	[sflag:s5] =	ssyncadd.s32 $0xFFFFC000;
	s16 =	sor.u32 $0x40, s16  }
0x36: {  	v0 =	vld [tilespmem:s16+$0x20]  }
0x37: {  	v1 =	vld [tilespmem:s16+$0x30]  }
0x38: {  	v2 =	vld [tilespmem:s16+$0xFFFFFFD0]  }
0x39: {  	v3 =	vld [tilespmem:s16+$0xFFFFFFE0]  }
0x3a: {  	v4 =	vld [tilespmem:s16+$0xFFFFFFF0]  }
0x3b: {  	v5 =	vld [tilespmem:s16+$0x0]  }
0x3c: {  	v6 =	vld [tilespmem:s16+$0x10]  }
0x3d: {  	v7 =	vld [tilespmem:s16+$0xFFFFFFC0]  }
0x3e: {  	s15 =	smul.u32 $0x10200, s15;
	v1 =	vperm.xlane.i2c.b16 v1;
	v0 =	vperm.xlane.i2c.b16 v0  }
0x3f: {  	s16 =	sadd.s32 $0x80, s16;
	v10 =	vperm.xlane.i2c.b16 v2;
	v3 =	vperm.xlane.i2c.b16 v3  }
0x40: {  	s15 =	sshrl.u32 s15, $0x2;
	v9 =	vld [tilespmem:s16+$0x30];
	v4 =	vperm.xlane.i2c.b16 v4;
	v5 =	vperm.xlane.i2c.b16 v5  }
0x41: {  	s15 =	sor.u32 $0x8000, s15;
	v2 =	vld [tilespmem:s16+$0x20];
	v6 =	vperm.xlane.i2c.b16 v6;
	v8 =	vcombine.low v0, v1  }
0x42: {  	v12 =	vld [tilespmem:s16+$0xFFFFFFF0];
	s17 =	sadd.s32 $0x0, s15;
	v13 =	vperm.xlane.i2c.b16 v7;
	v11 =	vcombine.low v3, v4  }
0x43: {  	v0 =	vcombine.high v0, v1;
	v1 =	vld [tilespmem:s16+$0xFFFFFFD0];
	v7 =	vcombine.low v5, v6;
	[tilespmem:s17+$0x1830 ss:$0x81] =	vst.msk $0xffff, v8  }
0x44: {  	v8 =	vld [tilespmem:s16+$0xFFFFFFE0];
	[tilespmem:s17+$0x810 ss:$0x81] =	vst.msk $0xffff, v11  }
0x45: {  	v14 =	vld [tilespmem:s16+$0x0];
	v9 =	vperm.xlane.i2c.b16 v9;
	v5 =	vcombine.high v5, v6;
	[tilespmem:s17+$0x1020 ss:$0x81] =	vst.msk $0xffff, v7  }
0x46: {  	s18 =	sand.u32 $0x1, s11;
	[tilespmem:s17+$0x3870 ss:$0x81] =	vst.msk $0xffff, v0;
	v0 =	vcombine.high v3, v4;
	v3 =	vld [tilespmem:s16+$0x10];
	v2 =	vperm.xlane.i2c.b16 v2  }
0x47: {  	s19 =	smul.u32 $0x10200, s18;
	s18 =	sadd.s32 $0x80, s16;
	v11 =	vcombine.low v13, v10;
	v7 =	vperm.xlane.i2c.b16 v12;
	v4 =	vld [tilespmem:s16+$0xFFFFFFC0];
	[tilespmem:s17+$0x3060 ss:$0x81] =	vst.msk $0xffff, v5  }
0x48: {  	v5 =	vld [tilespmem:s18+$0x30];
	[tilespmem:s17+$0x2850 ss:$0x81] =	vst.msk $0xffff, v0;
	v0 =	vperm.xlane.i2c.b16 v1;
	v15 =	vcombine.low v2, v9  }
0x49: {  	s31 =	sshrl.u32 s19, $0x2;
	s20 =	sadd.s32 $0x1, s15;
	[tilespmem:s17+$0x0 ss:$0x81] =	vst.msk $0xffff, v11;
	v1 =	vld [tilespmem:s18+$0x20];
	v9 =	vcombine.high v2, v9;
	v6 =	vperm.xlane.i2c.b16 v8  }
0x4a: {  	s21 =	simm.s32 $0xC;
	s19 =	simm.s32 $0x8;
	v10 =	vcombine.high v13, v10;
	s16 =	sor.u32 $0x8000, s31;
	v2 =	vld [tilespmem:s18+$0xFFFFFFD0];
	v8 =	vperm.xlane.i2c.b16 v14;
	[tilespmem:s20+$0x1830 ss:$0x81] =	vst.msk $0xffff, v15  }
.LBB1_3:
0x4b: {  	p1 =	sne.s32 s21, $0x1FC;
	v11 =	vld [tilespmem:s18+$0xFFFFFFE0];
	v12 =	vcombine.low v6, v7;
	v3 =	vperm.xlane.i2c.b16 v3;
	[tilespmem:s20+$0x3870 ss:$0x81] =	vst.msk $0xffff, v9  }
0x4c: {  	v13 =	vperm.xlane.i2c.b16 v4;
	v4 =	vcombine.high v6, v7;
	v9 =	vld [tilespmem:s18+$0xFFFFFFF0];
	[tilespmem:s17+$0x2040 ss:$0x81] =	vst.msk $0xffff, v10;
	s17 =	smov.u32 s20  }
0x4d: {  	v10 =	vld [tilespmem:s18+$0x0];
	[tilespmem:s17+$0x810 ss:$0x81] =	vst.msk $0xffff, v12;
	v6 =	vcombine.low v8, v3;
	v7 =	vcombine.high v8, v3  }
.Ltmp3:
0x4e: {  	v8 =	vperm.xlane.i2c.b16 v5;
	v12 =	vperm.xlane.i2c.b16 v1;
	v3 =	vld [tilespmem:s18+$0x10];
	[tilespmem:s17+$0x2850 ss:$0x81] =	vst.msk $0xffff, v4;
	(pc) =	sbr.rel @p1 .LBB1_3-.Ltmp3, $4  }
0x4f: {  	v14 =	vperm.xlane.i2c.b16 v2;
	v2 =	vcombine.low v13, v0;
	v4 =	vld [tilespmem:s18+$0xFFFFFFC0];
	s18 =	sadd.s32 $0x80, s18;
	[tilespmem:s17+$0x1020 ss:$0x81] =	vst.msk $0xffff, v6  }
0x50: {  	s20 =	sshra.s32 s19, $0x2;
	s19 =	smov.u32 s21;
	v1 =	vld [tilespmem:s18+$0x20];
	v6 =	vperm.xlane.i2c.b16 v11;
	v11 =	vcombine.low v12, v8;
	[tilespmem:s17+$0x3060 ss:$0x81] =	vst.msk $0xffff, v7  }
0x51: {  	s20 =	sadd.s32 s20, s15;
	v5 =	vld [tilespmem:s18+$0x30];
	v7 =	vperm.xlane.i2c.b16 v9;
	v9 =	vcombine.high v12, v8;
	[tilespmem:s17+$0x0 ss:$0x81] =	vst.msk $0xffff, v2  }
0x52: {  	s21 =	sadd.s32 $0x4, s21;
	v2 =	vld [tilespmem:s18+$0xFFFFFFD0];
	v8 =	vperm.xlane.i2c.b16 v10;
	[tilespmem:s20+$0x1830 ss:$0x81] =	vst.msk $0xffff, v11;
	v10 =	vcombine.high v13, v0;
	v0 =	vmov v14  }
.Ltmp4:
0x53: {  	_ = 	snop;
	(pc) =	sbr.rel .LBB1_4-.Ltmp4, $1  }
0x54: {  	_ =	sdelay $0x3  }
.LBB1_6:
0x55: {  	_ =	sfence.sel $0x180000  }
0x56: {  	s2 =	simm.s32 $0x1;
	[bflag:$0x0] =	sbarrier.arrive $0xFFFF  }
0x57: {  	s31 =	simm.s32 $0x2;
	[sflag:s2] =	ssyncpa.u1 $0x1  }
0x58: {  	[sflag:s31] =	ssyncpa.u1 $0x1  }
0x59: {  	p0 =	sne.s32 s1, $0x0;
	_ =	strace $0x90000053  }
0x5a: {  	s0 =	sadd.s32 @!p0 $0x100000, s0;
	[bflag:$0x2] =	sbarrier.arrive $0xFFFF  }
0x5b: {  	[sflag:s0] =	ssyncadd.tile.s32 @!p0 $0x1;
	_ =	shalt  }
.Lfunc_end1:
_tile_overlayer_lowered:
.L_overlay_start_2:
0x5c: {  	(tag) =	ssettag $0x2  }
0x5d: {  	s0 =	rddreg [dreg:$0x0];
	s2 =	stileid.u32  }
0x5e: {  	s1 =	rddreg [dreg:$0x1];
	p0 =	sne.s32 s2, $0x0  }
0x5f: {  	s3 =	rddreg [dreg:$0x2];
	[bflag:$0x3] =	sbarrier.arrive $0xFFFF;
	s2 =	simm.s32 @!p0 $0x1C01  }
0x60: {  	[timem:s3], [sflag:s2] =	dma.local @!p0 [hbm:s0], s1  }
0x61: {  	s0 =	simm.s32 @!p0 $0x1  }
0x62: {  	_ =	swait.ge @!p0 [sflag:s0], s1  }
0x63: {  	s1 =	ssub.s32 @!p0 $0x0, s1;
	[sflag:s0] =	ssyncset.done @!p0 $0x0  }
0x64: {  	[sflag:s0] =	ssyncadd.s32 @!p0 s1  }
0x65: {  	[bflag:$0x3] =	sbarrier.arrive $0xFFFF  }
0x66: {  	_ =	shalt  }

</sc_bundles>
